<compile_context>
chip_gen: v7x
topology: tpu7x:2x2x1
jax: 0.10.2.dev20260603
libtpu: 0.0.44.dev20260713+nightly
codegen_flags: <defaults>
</compile_context>

<pallas_src>
import functools

import jax
import jax.numpy as jnp
from jax import lax
from jax.experimental import pallas as pl
from jax.experimental.pallas import tpu as pltpu
from jax.experimental.pallas import tpu_sc as plsc

_D = 128
_L = 16
_NC = 2
_NS = 16
_NW = _NC * _NS
_C = 80
_NBUF = 5


def _sc_permute(x_rows, idx):
    n = x_rows.shape[0]
    rows_w = n // _NW
    nchunk = rows_w // _C
    ngroups = nchunk // _NBUF

    mesh = plsc.VectorSubcoreMesh(core_axis_name="c", subcore_axis_name="s")

    @functools.partial(
        pl.kernel,
        mesh=mesh,
        out_type=jax.ShapeDtypeStruct((n, _D), jnp.float32),
        compiler_params=pltpu.CompilerParams(needs_layout_passes=False),
        scratch_types=[pltpu.VMEM((_D,), jnp.int32)]
        + [pltpu.VMEM((_C, _D), jnp.float32)] * (2 * _NBUF)
        + [pltpu.SemaphoreType.DMA] * (2 * _NBUF),
    )
    def k(x_hbm, idx_hbm, out_hbm, idx_v, *bufs_and_sems):
        in_bufs = bufs_and_sems[0:_NBUF]
        out_bufs = bufs_and_sems[_NBUF:2 * _NBUF]
        sin = bufs_and_sems[2 * _NBUF:3 * _NBUF]
        sout = bufs_and_sems[3 * _NBUF:4 * _NBUF]

        wid = lax.axis_index("s") * _NC + lax.axis_index("c")
        base = wid * rows_w

        pltpu.sync_copy(idx_hbm, idx_v)
        idx_vecs = [idx_v[pl.ds(_L * j, _L)] for j in range(_D // _L)]

        def rows(g):
            return pl.ds(base + g * _C, _C)

        for b in range(_NBUF):
            pltpu.async_copy(x_hbm.at[rows(b)], in_bufs[b], sin[b])

        def group_body(gi, _):
            g0 = gi * _NBUF
            for b in range(_NBUF):
                g = g0 + b
                in_b = in_bufs[b]
                out_b = out_bufs[b]

                pltpu.make_async_copy(x_hbm.at[rows(g)], in_b, sin[b]).wait()

                @pl.when(gi > 0)
                def _wait_out():
                    pltpu.make_async_copy(
                        out_b, out_hbm.at[rows(g)], sout[b]
                    ).wait()

                @plsc.parallel_loop(0, _C, unroll=4)
                def row_body(r):
                    row_v = jnp.full((_L,), r, jnp.int32)
                    for j in range(_D // _L):
                        v = plsc.load_gather(in_b, [row_v, idx_vecs[j]])
                        out_b[r, pl.ds(_L * j, _L)] = v

                pltpu.async_copy(out_b, out_hbm.at[rows(g)], sout[b])

                @pl.when(g + _NBUF < nchunk)
                def _issue_in():
                    pltpu.async_copy(x_hbm.at[rows(g + _NBUF)], in_b, sin[b])
            return 0

        lax.fori_loop(0, ngroups, group_body, 0)

        for b in range(_NBUF):
            g_last = (ngroups - 1) * _NBUF + b
            pltpu.make_async_copy(
                out_bufs[b], out_hbm.at[rows(g_last)], sout[b]
            ).wait()

    return k(x_rows, idx)


def kernel(x, indexes):
    b, s, d = x.shape
    x_rows = x.reshape(b * s, d)
    idx = indexes.astype(jnp.int32)
    out = _sc_permute(x_rows, idx)
    return out.reshape(b, s, d)

# --- scband reference (transcript-rebuilt; emitter-appended) ---
"""Pipeline reference for scband-rearrange-torch-tensor-32813550141693 (READ-ONLY COPY).

The authoritative reference and input builder live on the scoring server;
editing this copy changes nothing except your own understanding.
"""

import jax, jax.numpy as jnp
import numpy as np


def setup_inputs(seed: int = 0) -> dict:
    key = jax.random.key(seed)
    k1, k2 = jax.random.split(key)
    x = jax.random.normal(k1, (4096, 100, 128), dtype=jnp.float32)
    # fixed permutation buffer from init_kwargs (reversed order 127..0)
    indexes = jnp.arange(127, -1, -1, dtype=jnp.int64)
    return {"x": x, "indexes": indexes}


def reference(x, indexes):
    # Rearrange elements along the last dimension: out[..., i] = x[..., indexes[i]]
    # Equivalent to torch's x[..., self.indexes] (gather along last axis).
    return jnp.take(x, indexes, axis=-1)

if __name__ == "__main__":
    import jax
    _d = setup_inputs()
    print(jax.jit(kernel)(*tuple(_d.values())))

</pallas_src>

<mosaic_0001>
#map = affine_map<(d0, d1) -> (0, 0)>
#map1 = affine_map<(d0, d1) -> (0)>
module attributes {stable_mosaic.version = 14 : i64} {
  func.func @k(%arg0: i32, %arg1: i32, %arg2: memref<409600x128xf32, #tpu.memory_space<hbm>>, %arg3: memref<128xi32, #tpu.memory_space<hbm>>, %arg4: memref<409600x128xf32, #tpu.memory_space<hbm>>, %arg5: memref<128xi32, #tpu.memory_space<vmem>>, %arg6: memref<80x128xf32, #tpu.memory_space<vmem>>, %arg7: memref<80x128xf32, #tpu.memory_space<vmem>>, %arg8: memref<80x128xf32, #tpu.memory_space<vmem>>, %arg9: memref<80x128xf32, #tpu.memory_space<vmem>>, %arg10: memref<80x128xf32, #tpu.memory_space<vmem>>, %arg11: memref<80x128xf32, #tpu.memory_space<vmem>>, %arg12: memref<80x128xf32, #tpu.memory_space<vmem>>, %arg13: memref<80x128xf32, #tpu.memory_space<vmem>>, %arg14: memref<80x128xf32, #tpu.memory_space<vmem>>, %arg15: memref<80x128xf32, #tpu.memory_space<vmem>>, %arg16: memref<!tpu.dma_semaphore, #tpu.memory_space<semaphore_mem>>, %arg17: memref<!tpu.dma_semaphore, #tpu.memory_space<semaphore_mem>>, %arg18: memref<!tpu.dma_semaphore, #tpu.memory_space<semaphore_mem>>, %arg19: memref<!tpu.dma_semaphore, #tpu.memory_space<semaphore_mem>>, %arg20: memref<!tpu.dma_semaphore, #tpu.memory_space<semaphore_mem>>, %arg21: memref<!tpu.dma_semaphore, #tpu.memory_space<semaphore_mem>>, %arg22: memref<!tpu.dma_semaphore, #tpu.memory_space<semaphore_mem>>, %arg23: memref<!tpu.dma_semaphore, #tpu.memory_space<semaphore_mem>>, %arg24: memref<!tpu.dma_semaphore, #tpu.memory_space<semaphore_mem>>, %arg25: memref<!tpu.dma_semaphore, #tpu.memory_space<semaphore_mem>>) attributes {dimension_semantics = [#tpu.dimension_semantics<core_parallel>, #tpu.dimension_semantics<subcore_parallel>], iteration_bounds = array<i64: 2, 16>, scalar_prefetch = 0 : i64, scratch_operands = 21 : i64, tpu.core_type = #tpu.core_type<sc_vector_subcore>, window_params = [{transform_indices = #map}, {transform_indices = #map1}, {transform_indices = #map}]} {
    %mul3A = arith.constant 2 : i32
    %mul3A_0 = arith.muli %arg1, %mul3A : i32
    %add3A = arith.addi %mul3A_0, %arg0 : i32
    %mul3A_1 = arith.constant 12800 : i32
    %mul3A_2 = arith.muli %add3A, %mul3A_1 : i32
    "tpu.region"() ({
      %run_scoped3A = tpu.sem_alloc : memref<!tpu.dma_semaphore, #tpu.memory_space<semaphore_mem>>
      tpu.enqueue_dma source(%arg3 : memref<128xi32, #tpu.memory_space<hbm>>) target(%arg5 : memref<128xi32, #tpu.memory_space<vmem>>) target_semaphore(%run_scoped3A : memref<!tpu.dma_semaphore, #tpu.memory_space<semaphore_mem>>)
      tpu.wait_dma2 semaphore(%run_scoped3A : memref<!tpu.dma_semaphore, #tpu.memory_space<semaphore_mem>>) src(%arg3 : memref<128xi32, #tpu.memory_space<hbm>>) dst(%arg5 : memref<128xi32, #tpu.memory_space<vmem>>)
      tpu.yield
    }) : () -> ()
    %get3A = arith.constant 0 : index
    %get3A_3 = tpu.vector_load %arg5[%get3A] {strides = array<i32>} : memref<128xi32, #tpu.memory_space<vmem>>, vector<16xi32>,
    %get3A_4 = arith.constant 16 : index
    %get3A_5 = tpu.vector_load %arg5[%get3A_4] {strides = array<i32>} : memref<128xi32, #tpu.memory_space<vmem>>, vector<16xi32>,
    %get3A_6 = arith.constant 32 : index
    %get3A_7 = tpu.vector_load %arg5[%get3A_6] {strides = array<i32>} : memref<128xi32, #tpu.memory_space<vmem>>, vector<16xi32>,
    %get3A_8 = arith.constant 48 : index
    %get3A_9 = tpu.vector_load %arg5[%get3A_8] {strides = array<i32>} : memref<128xi32, #tpu.memory_space<vmem>>, vector<16xi32>,
    %get3A_10 = arith.constant 64 : index
    %get3A_11 = tpu.vector_load %arg5[%get3A_10] {strides = array<i32>} : memref<128xi32, #tpu.memory_space<vmem>>, vector<16xi32>,
    %get3A_12 = arith.constant 80 : index
    %get3A_13 = tpu.vector_load %arg5[%get3A_12] {strides = array<i32>} : memref<128xi32, #tpu.memory_space<vmem>>, vector<16xi32>,
    %get3A_14 = arith.constant 96 : index
    %get3A_15 = tpu.vector_load %arg5[%get3A_14] {strides = array<i32>} : memref<128xi32, #tpu.memory_space<vmem>>, vector<16xi32>,
    %get3A_16 = arith.constant 112 : index
    %get3A_17 = tpu.vector_load %arg5[%get3A_16] {strides = array<i32>} : memref<128xi32, #tpu.memory_space<vmem>>, vector<16xi32>,
    %add3A_18 = arith.constant 0 : i32
    %add3A_19 = arith.addi %mul3A_2, %add3A_18 : i32
    %dma_start3A = arith.constant 0 : i32
    %dma_start3A_20 = tpu.memref_slice %arg2[%add3A_19, %dma_start3A] : memref<409600x128xf32, #tpu.memory_space<hbm>> -> memref<80x128xf32, #tpu.memory_space<hbm>>
    %dma_start3A_21 = arith.constant 0 : i32
    %dma_start3A_22 = tpu.memref_slice %arg2[%add3A_19, %dma_start3A_21] : memref<409600x128xf32, #tpu.memory_space<hbm>> -> memref<80x128xf32, #tpu.memory_space<hbm>>
    tpu.enqueue_dma source(%dma_start3A_22 : memref<80x128xf32, #tpu.memory_space<hbm>>) target(%arg6 : memref<80x128xf32, #tpu.memory_space<vmem>>) target_semaphore(%arg16 : memref<!tpu.dma_semaphore, #tpu.memory_space<semaphore_mem>>)
    %add3A_23 = arith.constant 80 : i32
    %add3A_24 = arith.addi %mul3A_2, %add3A_23 : i32
    %dma_start3A_25 = arith.constant 0 : i32
    %dma_start3A_26 = tpu.memref_slice %arg2[%add3A_24, %dma_start3A_25] : memref<409600x128xf32, #tpu.memory_space<hbm>> -> memref<80x128xf32, #tpu.memory_space<hbm>>
    %dma_start3A_27 = arith.constant 0 : i32
    %dma_start3A_28 = tpu.memref_slice %arg2[%add3A_24, %dma_start3A_27] : memref<409600x128xf32, #tpu.memory_space<hbm>> -> memref<80x128xf32, #tpu.memory_space<hbm>>
    tpu.enqueue_dma source(%dma_start3A_28 : memref<80x128xf32, #tpu.memory_space<hbm>>) target(%arg7 : memref<80x128xf32, #tpu.memory_space<vmem>>) target_semaphore(%arg17 : memref<!tpu.dma_semaphore, #tpu.memory_space<semaphore_mem>>)
    %add3A_29 = arith.constant 160 : i32
    %add3A_30 = arith.addi %mul3A_2, %add3A_29 : i32
    %dma_start3A_31 = arith.constant 0 : i32
    %dma_start3A_32 = tpu.memref_slice %arg2[%add3A_30, %dma_start3A_31] : memref<409600x128xf32, #tpu.memory_space<hbm>> -> memref<80x128xf32, #tpu.memory_space<hbm>>
    %dma_start3A_33 = arith.constant 0 : i32
    %dma_start3A_34 = tpu.memref_slice %arg2[%add3A_30, %dma_start3A_33] : memref<409600x128xf32, #tpu.memory_space<hbm>> -> memref<80x128xf32, #tpu.memory_space<hbm>>
    tpu.enqueue_dma source(%dma_start3A_34 : memref<80x128xf32, #tpu.memory_space<hbm>>) target(%arg8 : memref<80x128xf32, #tpu.memory_space<vmem>>) target_semaphore(%arg18 : memref<!tpu.dma_semaphore, #tpu.memory_space<semaphore_mem>>)
    %add3A_35 = arith.constant 240 : i32
    %add3A_36 = arith.addi %mul3A_2, %add3A_35 : i32
    %dma_start3A_37 = arith.constant 0 : i32
    %dma_start3A_38 = tpu.memref_slice %arg2[%add3A_36, %dma_start3A_37] : memref<409600x128xf32, #tpu.memory_space<hbm>> -> memref<80x128xf32, #tpu.memory_space<hbm>>
    %dma_start3A_39 = arith.constant 0 : i32
    %dma_start3A_40 = tpu.memref_slice %arg2[%add3A_36, %dma_start3A_39] : memref<409600x128xf32, #tpu.memory_space<hbm>> -> memref<80x128xf32, #tpu.memory_space<hbm>>
    tpu.enqueue_dma source(%dma_start3A_40 : memref<80x128xf32, #tpu.memory_space<hbm>>) target(%arg9 : memref<80x128xf32, #tpu.memory_space<vmem>>) target_semaphore(%arg19 : memref<!tpu.dma_semaphore, #tpu.memory_space<semaphore_mem>>)
    %add3A_41 = arith.constant 320 : i32
    %add3A_42 = arith.addi %mul3A_2, %add3A_41 : i32
    %dma_start3A_43 = arith.constant 0 : i32
    %dma_start3A_44 = tpu.memref_slice %arg2[%add3A_42, %dma_start3A_43] : memref<409600x128xf32, #tpu.memory_space<hbm>> -> memref<80x128xf32, #tpu.memory_space<hbm>>
    %dma_start3A_45 = arith.constant 0 : i32
    %dma_start3A_46 = tpu.memref_slice %arg2[%add3A_42, %dma_start3A_45] : memref<409600x128xf32, #tpu.memory_space<hbm>> -> memref<80x128xf32, #tpu.memory_space<hbm>>
    tpu.enqueue_dma source(%dma_start3A_46 : memref<80x128xf32, #tpu.memory_space<hbm>>) target(%arg10 : memref<80x128xf32, #tpu.memory_space<vmem>>) target_semaphore(%arg20 : memref<!tpu.dma_semaphore, #tpu.memory_space<semaphore_mem>>)
    %scan3A = arith.constant 0 : i32
    %scan3A_47 = arith.constant 0 : i32
    %scan3A_48 = arith.constant 32 : i32
    %scan3A_49 = arith.addi %scan3A_47, %scan3A_48 : i32
    %scan3A_50 = arith.constant 1 : i32
    %scan3A_51 = scf.for %scan3A_82 = %scan3A_47 to %scan3A_49 step %scan3A_50 iter_args(%scan3A_83 = %scan3A) -> (i32)  : i32 {
      %mul3A_84 = arith.constant 5 : i32
      %mul3A_85 = arith.muli %scan3A_82, %mul3A_84 : i32
      %add3A_86 = arith.constant 0 : i32
      %add3A_87 = arith.addi %mul3A_85, %add3A_86 : i32
      %mul3A_88 = arith.constant 80 : i32
      %mul3A_89 = arith.muli %add3A_87, %mul3A_88 : i32
      %add3A_90 = arith.addi %mul3A_2, %mul3A_89 : i32
      %dma_wait3A_91 = arith.constant 0 : i32
      %dma_wait3A_92 = tpu.memref_slice %arg2[%add3A_90, %dma_wait3A_91] : memref<409600x128xf32, #tpu.memory_space<hbm>> -> memref<80x128xf32, #tpu.memory_space<hbm>>
      %dma_wait3A_93 = arith.constant 0 : i32
      %dma_wait3A_94 = tpu.memref_slice %arg2[%add3A_90, %dma_wait3A_93] : memref<409600x128xf32, #tpu.memory_space<hbm>> -> memref<80x128xf32, #tpu.memory_space<hbm>>
      tpu.wait_dma2 semaphore(%arg16 : memref<!tpu.dma_semaphore, #tpu.memory_space<semaphore_mem>>) src(%dma_wait3A_94 : memref<80x128xf32, #tpu.memory_space<hbm>>) dst(%arg6 : memref<80x128xf32, #tpu.memory_space<vmem>>)
      %gt3A = arith.constant 0 : i32
      %gt3A_95 = arith.cmpi sgt, %scan3A_82, %gt3A : i32
      %convert_element_type3A = arith.extui %gt3A_95 : i1 to i32
      %cond3A = arith.constant 0 : i32
      %cond3A_96 = arith.cmpi ne, %convert_element_type3A, %cond3A : i32
      scf.if %cond3A_96 {
        %mul3A_237 = arith.constant 80 : i32
        %mul3A_238 = arith.muli %add3A_87, %mul3A_237 : i32
        %add3A_239 = arith.addi %mul3A_2, %mul3A_238 : i32
        %dma_wait3A_240 = arith.constant 0 : i32
        %dma_wait3A_241 = tpu.memref_slice %arg4[%add3A_239, %dma_wait3A_240] : memref<409600x128xf32, #tpu.memory_space<hbm>> -> memref<80x128xf32, #tpu.memory_space<hbm>>
        %dma_wait3A_242 = arith.constant 0 : i32
        %dma_wait3A_243 = tpu.memref_slice %arg4[%add3A_239, %dma_wait3A_242] : memref<409600x128xf32, #tpu.memory_space<hbm>> -> memref<80x128xf32, #tpu.memory_space<hbm>>
        tpu.wait_dma2 semaphore(%arg21 : memref<!tpu.dma_semaphore, #tpu.memory_space<semaphore_mem>>) src(%arg11 : memref<80x128xf32, #tpu.memory_space<vmem>>) dst(%dma_wait3A_243 : memref<80x128xf32, #tpu.memory_space<hbm>>)
      } else {
      }
      %parallel_loop3A = arith.constant 0 : i32
      %parallel_loop3A_97 = arith.constant 80 : i32
      %parallel_loop3A_98 = arith.constant 1 : i32
      scf.for %parallel_loop3A_237 = %parallel_loop3A to %parallel_loop3A_97 step %parallel_loop3A_98  : i32 {
        %parallel_loop3A_238 = vector.broadcast %parallel_loop3A_237 : i32 to vector<16xi32>
        %parallel_loop3A_239 = tpu.vector_load_idx %arg6[%parallel_loop3A_238, %get3A_3] : memref<80x128xf32, #tpu.memory_space<vmem>>[vector<16xi32>, vector<16xi32>], vector<16xf32>,
        %parallel_loop3A_240 = arith.index_cast %parallel_loop3A_237 : i32 to index
        %parallel_loop3A_241 = arith.constant 0 : index
        %parallel_loop3A_242 = tpu.vector_load %arg11[%parallel_loop3A_240, %parallel_loop3A_241] {strides = array<i32>} : memref<80x128xf32, #tpu.memory_space<vmem>>, vector<16xf32>,
        tpu.vector_store %arg11[%parallel_loop3A_240, %parallel_loop3A_241], %parallel_loop3A_239 {strides = array<i32>} : memref<80x128xf32, #tpu.memory_space<vmem>>, vector<16xf32>,
        %parallel_loop3A_243 = tpu.vector_load_idx %arg6[%parallel_loop3A_238, %get3A_5] : memref<80x128xf32, #tpu.memory_space<vmem>>[vector<16xi32>, vector<16xi32>], vector<16xf32>,
        %parallel_loop3A_244 = arith.index_cast %parallel_loop3A_237 : i32 to index
        %parallel_loop3A_245 = arith.constant 16 : index
        %parallel_loop3A_246 = tpu.vector_load %arg11[%parallel_loop3A_244, %parallel_loop3A_245] {strides = array<i32>} : memref<80x128xf32, #tpu.memory_space<vmem>>, vector<16xf32>,
        tpu.vector_store %arg11[%parallel_loop3A_244, %parallel_loop3A_245], %parallel_loop3A_243 {strides = array<i32>} : memref<80x128xf32, #tpu.memory_space<vmem>>, vector<16xf32>,
        %parallel_loop3A_247 = tpu.vector_load_idx %arg6[%parallel_loop3A_238, %get3A_7] : memref<80x128xf32, #tpu.memory_space<vmem>>[vector<16xi32>, vector<16xi32>], vector<16xf32>,
        %parallel_loop3A_248 = arith.index_cast %parallel_loop3A_237 : i32 to index
        %parallel_loop3A_249 = arith.constant 32 : index
        %parallel_loop3A_250 = tpu.vector_load %arg11[%parallel_loop3A_248, %parallel_loop3A_249] {strides = array<i32>} : memref<80x128xf32, #tpu.memory_space<vmem>>, vector<16xf32>,
        tpu.vector_store %arg11[%parallel_loop3A_248, %parallel_loop3A_249], %parallel_loop3A_247 {strides = array<i32>} : memref<80x128xf32, #tpu.memory_space<vmem>>, vector<16xf32>,
        %parallel_loop3A_251 = tpu.vector_load_idx %arg6[%parallel_loop3A_238, %get3A_9] : memref<80x128xf32, #tpu.memory_space<vmem>>[vector<16xi32>, vector<16xi32>], vector<16xf32>,
        %parallel_loop3A_252 = arith.index_cast %parallel_loop3A_237 : i32 to index
        %parallel_loop3A_253 = arith.constant 48 : index
        %parallel_loop3A_254 = tpu.vector_load %arg11[%parallel_loop3A_252, %parallel_loop3A_253] {strides = array<i32>} : memref<80x128xf32, #tpu.memory_space<vmem>>, vector<16xf32>,
        tpu.vector_store %arg11[%parallel_loop3A_252, %parallel_loop3A_253], %parallel_loop3A_251 {strides = array<i32>} : memref<80x128xf32, #tpu.memory_space<vmem>>, vector<16xf32>,
        %parallel_loop3A_255 = tpu.vector_load_idx %arg6[%parallel_loop3A_238, %get3A_11] : memref<80x128xf32, #tpu.memory_space<vmem>>[vector<16xi32>, vector<16xi32>], vector<16xf32>,
        %parallel_loop3A_256 = arith.index_cast %parallel_loop3A_237 : i32 to index
        %parallel_loop3A_257 = arith.constant 64 : index
        %parallel_loop3A_258 = tpu.vector_load %arg11[%parallel_loop3A_256, %parallel_loop3A_257] {strides = array<i32>} : memref<80x128xf32, #tpu.memory_space<vmem>>, vector<16xf32>,
        tpu.vector_store %arg11[%parallel_loop3A_256, %parallel_loop3A_257], %parallel_loop3A_255 {strides = array<i32>} : memref<80x128xf32, #tpu.memory_space<vmem>>, vector<16xf32>,
        %parallel_loop3A_259 = tpu.vector_load_idx %arg6[%parallel_loop3A_238, %get3A_13] : memref<80x128xf32, #tpu.memory_space<vmem>>[vector<16xi32>, vector<16xi32>], vector<16xf32>,
        %parallel_loop3A_260 = arith.index_cast %parallel_loop3A_237 : i32 to index
        %parallel_loop3A_261 = arith.constant 80 : index
        %parallel_loop3A_262 = tpu.vector_load %arg11[%parallel_loop3A_260, %parallel_loop3A_261] {strides = array<i32>} : memref<80x128xf32, #tpu.memory_space<vmem>>, vector<16xf32>,
        tpu.vector_store %arg11[%parallel_loop3A_260, %parallel_loop3A_261], %parallel_loop3A_259 {strides = array<i32>} : memref<80x128xf32, #tpu.memory_space<vmem>>, vector<16xf32>,
        %parallel_loop3A_263 = tpu.vector_load_idx %arg6[%parallel_loop3A_238, %get3A_15] : memref<80x128xf32, #tpu.memory_space<vmem>>[vector<16xi32>, vector<16xi32>], vector<16xf32>,
        %parallel_loop3A_264 = arith.index_cast %parallel_loop3A_237 : i32 to index
        %parallel_loop3A_265 = arith.constant 96 : index
        %parallel_loop3A_266 = tpu.vector_load %arg11[%parallel_loop3A_264, %parallel_loop3A_265] {strides = array<i32>} : memref<80x128xf32, #tpu.memory_space<vmem>>, vector<16xf32>,
        tpu.vector_store %arg11[%parallel_loop3A_264, %parallel_loop3A_265], %parallel_loop3A_263 {strides = array<i32>} : memref<80x128xf32, #tpu.memory_space<vmem>>, vector<16xf32>,
        %parallel_loop3A_267 = tpu.vector_load_idx %arg6[%parallel_loop3A_238, %get3A_17] : memref<80x128xf32, #tpu.memory_space<vmem>>[vector<16xi32>, vector<16xi32>], vector<16xf32>,
        %parallel_loop3A_268 = arith.index_cast %parallel_loop3A_237 : i32 to index
        %parallel_loop3A_269 = arith.constant 112 : index
        %parallel_loop3A_270 = tpu.vector_load %arg11[%parallel_loop3A_268, %parallel_loop3A_269] {strides = array<i32>} : memref<80x128xf32, #tpu.memory_space<vmem>>, vector<16xf32>,
        tpu.vector_store %arg11[%parallel_loop3A_268, %parallel_loop3A_269], %parallel_loop3A_267 {strides = array<i32>} : memref<80x128xf32, #tpu.memory_space<vmem>>, vector<16xf32>,
      } {sc.loop_unroll_factor = 4 : i64, sc.parallel_access}
      %mul3A_99 = arith.constant 80 : i32
      %mul3A_100 = arith.muli %add3A_87, %mul3A_99 : i32
      %add3A_101 = arith.addi %mul3A_2, %mul3A_100 : i32
      %dma_start3A_102 = arith.constant 0 : i32
      %dma_start3A_103 = tpu.memref_slice %arg4[%add3A_101, %dma_start3A_102] : memref<409600x128xf32, #tpu.memory_space<hbm>> -> memref<80x128xf32, #tpu.memory_space<hbm>>
      %dma_start3A_104 = arith.constant 0 : i32
      %dma_start3A_105 = tpu.memref_slice %arg4[%add3A_101, %dma_start3A_104] : memref<409600x128xf32, #tpu.memory_space<hbm>> -> memref<80x128xf32, #tpu.memory_space<hbm>>
      tpu.enqueue_dma source(%arg11 : memref<80x128xf32, #tpu.memory_space<vmem>>) target(%dma_start3A_105 : memref<80x128xf32, #tpu.memory_space<hbm>>) target_semaphore(%arg21 : memref<!tpu.dma_semaphore, #tpu.memory_space<semaphore_mem>>)
      %add3A_106 = arith.constant 5 : i32
      %add3A_107 = arith.addi %add3A_87, %add3A_106 : i32
      %lt3A = arith.constant 160 : i32
      %lt3A_108 = arith.cmpi slt, %add3A_107, %lt3A : i32
      %convert_element_type3A_109 = arith.extui %lt3A_108 : i1 to i32
      %cond3A_110 = arith.constant 0 : i32
      %cond3A_111 = arith.cmpi ne, %convert_element_type3A_109, %cond3A_110 : i32
      scf.if %cond3A_111 {
        %add3A_237 = arith.constant 5 : i32
        %add3A_238 = arith.addi %add3A_87, %add3A_237 : i32
        %mul3A_239 = arith.constant 80 : i32
        %mul3A_240 = arith.muli %add3A_238, %mul3A_239 : i32
        %add3A_241 = arith.addi %mul3A_2, %mul3A_240 : i32
        %dma_start3A_242 = arith.constant 0 : i32
        %dma_start3A_243 = tpu.memref_slice %arg2[%add3A_241, %dma_start3A_242] : memref<409600x128xf32, #tpu.memory_space<hbm>> -> memref<80x128xf32, #tpu.memory_space<hbm>>
        %dma_start3A_244 = arith.constant 0 : i32
        %dma_start3A_245 = tpu.memref_slice %arg2[%add3A_241, %dma_start3A_244] : memref<409600x128xf32, #tpu.memory_space<hbm>> -> memref<80x128xf32, #tpu.memory_space<hbm>>
        tpu.enqueue_dma source(%dma_start3A_245 : memref<80x128xf32, #tpu.memory_space<hbm>>) target(%arg6 : memref<80x128xf32, #tpu.memory_space<vmem>>) target_semaphore(%arg16 : memref<!tpu.dma_semaphore, #tpu.memory_space<semaphore_mem>>)
      } else {
      }
      %add3A_112 = arith.constant 1 : i32
      %add3A_113 = arith.addi %mul3A_85, %add3A_112 : i32
      %mul3A_114 = arith.constant 80 : i32
      %mul3A_115 = arith.muli %add3A_113, %mul3A_114 : i32
      %add3A_116 = arith.addi %mul3A_2, %mul3A_115 : i32
      %dma_wait3A_117 = arith.constant 0 : i32
      %dma_wait3A_118 = tpu.memref_slice %arg2[%add3A_116, %dma_wait3A_117] : memref<409600x128xf32, #tpu.memory_space<hbm>> -> memref<80x128xf32, #tpu.memory_space<hbm>>
      %dma_wait3A_119 = arith.constant 0 : i32
      %dma_wait3A_120 = tpu.memref_slice %arg2[%add3A_116, %dma_wait3A_119] : memref<409600x128xf32, #tpu.memory_space<hbm>> -> memref<80x128xf32, #tpu.memory_space<hbm>>
      tpu.wait_dma2 semaphore(%arg17 : memref<!tpu.dma_semaphore, #tpu.memory_space<semaphore_mem>>) src(%dma_wait3A_120 : memref<80x128xf32, #tpu.memory_space<hbm>>) dst(%arg7 : memref<80x128xf32, #tpu.memory_space<vmem>>)
      %gt3A_121 = arith.constant 0 : i32
      %gt3A_122 = arith.cmpi sgt, %scan3A_82, %gt3A_121 : i32
      %convert_element_type3A_123 = arith.extui %gt3A_122 : i1 to i32
      %cond3A_124 = arith.constant 0 : i32
      %cond3A_125 = arith.cmpi ne, %convert_element_type3A_123, %cond3A_124 : i32
      scf.if %cond3A_125 {
        %mul3A_237 = arith.constant 80 : i32
        %mul3A_238 = arith.muli %add3A_113, %mul3A_237 : i32
        %add3A_239 = arith.addi %mul3A_2, %mul3A_238 : i32
        %dma_wait3A_240 = arith.constant 0 : i32
        %dma_wait3A_241 = tpu.memref_slice %arg4[%add3A_239, %dma_wait3A_240] : memref<409600x128xf32, #tpu.memory_space<hbm>> -> memref<80x128xf32, #tpu.memory_space<hbm>>
        %dma_wait3A_242 = arith.constant 0 : i32
        %dma_wait3A_243 = tpu.memref_slice %arg4[%add3A_239, %dma_wait3A_242] : memref<409600x128xf32, #tpu.memory_space<hbm>> -> memref<80x128xf32, #tpu.memory_space<hbm>>
        tpu.wait_dma2 semaphore(%arg22 : memref<!tpu.dma_semaphore, #tpu.memory_space<semaphore_mem>>) src(%arg12 : memref<80x128xf32, #tpu.memory_space<vmem>>) dst(%dma_wait3A_243 : memref<80x128xf32, #tpu.memory_space<hbm>>)
      } else {
      }
      %parallel_loop3A_126 = arith.constant 0 : i32
      %parallel_loop3A_127 = arith.constant 80 : i32
      %parallel_loop3A_128 = arith.constant 1 : i32
      scf.for %parallel_loop3A_237 = %parallel_loop3A_126 to %parallel_loop3A_127 step %parallel_loop3A_128  : i32 {
        %parallel_loop3A_238 = vector.broadcast %parallel_loop3A_237 : i32 to vector<16xi32>
        %parallel_loop3A_239 = tpu.vector_load_idx %arg7[%parallel_loop3A_238, %get3A_3] : memref<80x128xf32, #tpu.memory_space<vmem>>[vector<16xi32>, vector<16xi32>], vector<16xf32>,
        %parallel_loop3A_240 = arith.index_cast %parallel_loop3A_237 : i32 to index
        %parallel_loop3A_241 = arith.constant 0 : index
        %parallel_loop3A_242 = tpu.vector_load %arg12[%parallel_loop3A_240, %parallel_loop3A_241] {strides = array<i32>} : memref<80x128xf32, #tpu.memory_space<vmem>>, vector<16xf32>,
        tpu.vector_store %arg12[%parallel_loop3A_240, %parallel_loop3A_241], %parallel_loop3A_239 {strides = array<i32>} : memref<80x128xf32, #tpu.memory_space<vmem>>, vector<16xf32>,
        %parallel_loop3A_243 = tpu.vector_load_idx %arg7[%parallel_loop3A_238, %get3A_5] : memref<80x128xf32, #tpu.memory_space<vmem>>[vector<16xi32>, vector<16xi32>], vector<16xf32>,
        %parallel_loop3A_244 = arith.index_cast %parallel_loop3A_237 : i32 to index
        %parallel_loop3A_245 = arith.constant 16 : index
        %parallel_loop3A_246 = tpu.vector_load %arg12[%parallel_loop3A_244, %parallel_loop3A_245] {strides = array<i32>} : memref<80x128xf32, #tpu.memory_space<vmem>>, vector<16xf32>,
        tpu.vector_store %arg12[%parallel_loop3A_244, %parallel_loop3A_245], %parallel_loop3A_243 {strides = array<i32>} : memref<80x128xf32, #tpu.memory_space<vmem>>, vector<16xf32>,
        %parallel_loop3A_247 = tpu.vector_load_idx %arg7[%parallel_loop3A_238, %get3A_7] : memref<80x128xf32, #tpu.memory_space<vmem>>[vector<16xi32>, vector<16xi32>], vector<16xf32>,
        %parallel_loop3A_248 = arith.index_cast %parallel_loop3A_237 : i32 to index
        %parallel_loop3A_249 = arith.constant 32 : index
        %parallel_loop3A_250 = tpu.vector_load %arg12[%parallel_loop3A_248, %parallel_loop3A_249] {strides = array<i32>} : memref<80x128xf32, #tpu.memory_space<vmem>>, vector<16xf32>,
        tpu.vector_store %arg12[%parallel_loop3A_248, %parallel_loop3A_249], %parallel_loop3A_247 {strides = array<i32>} : memref<80x128xf32, #tpu.memory_space<vmem>>, vector<16xf32>,
        %parallel_loop3A_251 = tpu.vector_load_idx %arg7[%parallel_loop3A_238, %get3A_9] : memref<80x128xf32, #tpu.memory_space<vmem>>[vector<16xi32>, vector<16xi32>], vector<16xf32>,
        %parallel_loop3A_252 = arith.index_cast %parallel_loop3A_237 : i32 to index
        %parallel_loop3A_253 = arith.constant 48 : index
        %parallel_loop3A_254 = tpu.vector_load %arg12[%parallel_loop3A_252, %parallel_loop3A_253] {strides = array<i32>} : memref<80x128xf32, #tpu.memory_space<vmem>>, vector<16xf32>,
        tpu.vector_store %arg12[%parallel_loop3A_252, %parallel_loop3A_253], %parallel_loop3A_251 {strides = array<i32>} : memref<80x128xf32, #tpu.memory_space<vmem>>, vector<16xf32>,
        %parallel_loop3A_255 = tpu.vector_load_idx %arg7[%parallel_loop3A_238, %get3A_11] : memref<80x128xf32, #tpu.memory_space<vmem>>[vector<16xi32>, vector<16xi32>], vector<16xf32>,
        %parallel_loop3A_256 = arith.index_cast %parallel_loop3A_237 : i32 to index
        %parallel_loop3A_257 = arith.constant 64 : index
        %parallel_loop3A_258 = tpu.vector_load %arg12[%parallel_loop3A_256, %parallel_loop3A_257] {strides = array<i32>} : memref<80x128xf32, #tpu.memory_space<vmem>>, vector<16xf32>,
        tpu.vector_store %arg12[%parallel_loop3A_256, %parallel_loop3A_257], %parallel_loop3A_255 {strides = array<i32>} : memref<80x128xf32, #tpu.memory_space<vmem>>, vector<16xf32>,
        %parallel_loop3A_259 = tpu.vector_load_idx %arg7[%parallel_loop3A_238, %get3A_13] : memref<80x128xf32, #tpu.memory_space<vmem>>[vector<16xi32>, vector<16xi32>], vector<16xf32>,
        %parallel_loop3A_260 = arith.index_cast %parallel_loop3A_237 : i32 to index
        %parallel_loop3A_261 = arith.constant 80 : index
        %parallel_loop3A_262 = tpu.vector_load %arg12[%parallel_loop3A_260, %parallel_loop3A_261] {strides = array<i32>} : memref<80x128xf32, #tpu.memory_space<vmem>>, vector<16xf32>,
        tpu.vector_store %arg12[%parallel_loop3A_260, %parallel_loop3A_261], %parallel_loop3A_259 {strides = array<i32>} : memref<80x128xf32, #tpu.memory_space<vmem>>, vector<16xf32>,
        %parallel_loop3A_263 = tpu.vector_load_idx %arg7[%parallel_loop3A_238, %get3A_15] : memref<80x128xf32, #tpu.memory_space<vmem>>[vector<16xi32>, vector<16xi32>], vector<16xf32>,
        %parallel_loop3A_264 = arith.index_cast %parallel_loop3A_237 : i32 to index
        %parallel_loop3A_265 = arith.constant 96 : index
        %parallel_loop3A_266 = tpu.vector_load %arg12[%parallel_loop3A_264, %parallel_loop3A_265] {strides = array<i32>} : memref<80x128xf32, #tpu.memory_space<vmem>>, vector<16xf32>,
        tpu.vector_store %arg12[%parallel_loop3A_264, %parallel_loop3A_265], %parallel_loop3A_263 {strides = array<i32>} : memref<80x128xf32, #tpu.memory_space<vmem>>, vector<16xf32>,
        %parallel_loop3A_267 = tpu.vector_load_idx %arg7[%parallel_loop3A_238, %get3A_17] : memref<80x128xf32, #tpu.memory_space<vmem>>[vector<16xi32>, vector<16xi32>], vector<16xf32>,
        %parallel_loop3A_268 = arith.index_cast %parallel_loop3A_237 : i32 to index
        %parallel_loop3A_269 = arith.constant 112 : index
        %parallel_loop3A_270 = tpu.vector_load %arg12[%parallel_loop3A_268, %parallel_loop3A_269] {strides = array<i32>} : memref<80x128xf32, #tpu.memory_space<vmem>>, vector<16xf32>,
        tpu.vector_store %arg12[%parallel_loop3A_268, %parallel_loop3A_269], %parallel_loop3A_267 {strides = array<i32>} : memref<80x128xf32, #tpu.memory_space<vmem>>, vector<16xf32>,
      } {sc.loop_unroll_factor = 4 : i64, sc.parallel_access}
      %mul3A_129 = arith.constant 80 : i32
      %mul3A_130 = arith.muli %add3A_113, %mul3A_129 : i32
      %add3A_131 = arith.addi %mul3A_2, %mul3A_130 : i32
      %dma_start3A_132 = arith.constant 0 : i32
      %dma_start3A_133 = tpu.memref_slice %arg4[%add3A_131, %dma_start3A_132] : memref<409600x128xf32, #tpu.memory_space<hbm>> -> memref<80x128xf32, #tpu.memory_space<hbm>>
      %dma_start3A_134 = arith.constant 0 : i32
      %dma_start3A_135 = tpu.memref_slice %arg4[%add3A_131, %dma_start3A_134] : memref<409600x128xf32, #tpu.memory_space<hbm>> -> memref<80x128xf32, #tpu.memory_space<hbm>>
      tpu.enqueue_dma source(%arg12 : memref<80x128xf32, #tpu.memory_space<vmem>>) target(%dma_start3A_135 : memref<80x128xf32, #tpu.memory_space<hbm>>) target_semaphore(%arg22 : memref<!tpu.dma_semaphore, #tpu.memory_space<semaphore_mem>>)
      %add3A_136 = arith.constant 5 : i32
      %add3A_137 = arith.addi %add3A_113, %add3A_136 : i32
      %lt3A_138 = arith.constant 160 : i32
      %lt3A_139 = arith.cmpi slt, %add3A_137, %lt3A_138 : i32
      %convert_element_type3A_140 = arith.extui %lt3A_139 : i1 to i32
      %cond3A_141 = arith.constant 0 : i32
      %cond3A_142 = arith.cmpi ne, %convert_element_type3A_140, %cond3A_141 : i32
      scf.if %cond3A_142 {
        %add3A_237 = arith.constant 5 : i32
        %add3A_238 = arith.addi %add3A_113, %add3A_237 : i32
        %mul3A_239 = arith.constant 80 : i32
        %mul3A_240 = arith.muli %add3A_238, %mul3A_239 : i32
        %add3A_241 = arith.addi %mul3A_2, %mul3A_240 : i32
        %dma_start3A_242 = arith.constant 0 : i32
        %dma_start3A_243 = tpu.memref_slice %arg2[%add3A_241, %dma_start3A_242] : memref<409600x128xf32, #tpu.memory_space<hbm>> -> memref<80x128xf32, #tpu.memory_space<hbm>>
        %dma_start3A_244 = arith.constant 0 : i32
        %dma_start3A_245 = tpu.memref_slice %arg2[%add3A_241, %dma_start3A_244] : memref<409600x128xf32, #tpu.memory_space<hbm>> -> memref<80x128xf32, #tpu.memory_space<hbm>>
        tpu.enqueue_dma source(%dma_start3A_245 : memref<80x128xf32, #tpu.memory_space<hbm>>) target(%arg7 : memref<80x128xf32, #tpu.memory_space<vmem>>) target_semaphore(%arg17 : memref<!tpu.dma_semaphore, #tpu.memory_space<semaphore_mem>>)
      } else {
      }
      %add3A_143 = arith.constant 2 : i32
      %add3A_144 = arith.addi %mul3A_85, %add3A_143 : i32
      %mul3A_145 = arith.constant 80 : i32
      %mul3A_146 = arith.muli %add3A_144, %mul3A_145 : i32
      %add3A_147 = arith.addi %mul3A_2, %mul3A_146 : i32
      %dma_wait3A_148 = arith.constant 0 : i32
      %dma_wait3A_149 = tpu.memref_slice %arg2[%add3A_147, %dma_wait3A_148] : memref<409600x128xf32, #tpu.memory_space<hbm>> -> memref<80x128xf32, #tpu.memory_space<hbm>>
      %dma_wait3A_150 = arith.constant 0 : i32
      %dma_wait3A_151 = tpu.memref_slice %arg2[%add3A_147, %dma_wait3A_150] : memref<409600x128xf32, #tpu.memory_space<hbm>> -> memref<80x128xf32, #tpu.memory_space<hbm>>
      tpu.wait_dma2 semaphore(%arg18 : memref<!tpu.dma_semaphore, #tpu.memory_space<semaphore_mem>>) src(%dma_wait3A_151 : memref<80x128xf32, #tpu.memory_space<hbm>>) dst(%arg8 : memref<80x128xf32, #tpu.memory_space<vmem>>)
      %gt3A_152 = arith.constant 0 : i32
      %gt3A_153 = arith.cmpi sgt, %scan3A_82, %gt3A_152 : i32
      %convert_element_type3A_154 = arith.extui %gt3A_153 : i1 to i32
      %cond3A_155 = arith.constant 0 : i32
      %cond3A_156 = arith.cmpi ne, %convert_element_type3A_154, %cond3A_155 : i32
      scf.if %cond3A_156 {
        %mul3A_237 = arith.constant 80 : i32
        %mul3A_238 = arith.muli %add3A_144, %mul3A_237 : i32
        %add3A_239 = arith.addi %mul3A_2, %mul3A_238 : i32
        %dma_wait3A_240 = arith.constant 0 : i32
        %dma_wait3A_241 = tpu.memref_slice %arg4[%add3A_239, %dma_wait3A_240] : memref<409600x128xf32, #tpu.memory_space<hbm>> -> memref<80x128xf32, #tpu.memory_space<hbm>>
        %dma_wait3A_242 = arith.constant 0 : i32
        %dma_wait3A_243 = tpu.memref_slice %arg4[%add3A_239, %dma_wait3A_242] : memref<409600x128xf32, #tpu.memory_space<hbm>> -> memref<80x128xf32, #tpu.memory_space<hbm>>
        tpu.wait_dma2 semaphore(%arg23 : memref<!tpu.dma_semaphore, #tpu.memory_space<semaphore_mem>>) src(%arg13 : memref<80x128xf32, #tpu.memory_space<vmem>>) dst(%dma_wait3A_243 : memref<80x128xf32, #tpu.memory_space<hbm>>)
      } else {
      }
      %parallel_loop3A_157 = arith.constant 0 : i32
      %parallel_loop3A_158 = arith.constant 80 : i32
      %parallel_loop3A_159 = arith.constant 1 : i32
      scf.for %parallel_loop3A_237 = %parallel_loop3A_157 to %parallel_loop3A_158 step %parallel_loop3A_159  : i32 {
        %parallel_loop3A_238 = vector.broadcast %parallel_loop3A_237 : i32 to vector<16xi32>
        %parallel_loop3A_239 = tpu.vector_load_idx %arg8[%parallel_loop3A_238, %get3A_3] : memref<80x128xf32, #tpu.memory_space<vmem>>[vector<16xi32>, vector<16xi32>], vector<16xf32>,
        %parallel_loop3A_240 = arith.index_cast %parallel_loop3A_237 : i32 to index
        %parallel_loop3A_241 = arith.constant 0 : index
        %parallel_loop3A_242 = tpu.vector_load %arg13[%parallel_loop3A_240, %parallel_loop3A_241] {strides = array<i32>} : memref<80x128xf32, #tpu.memory_space<vmem>>, vector<16xf32>,
        tpu.vector_store %arg13[%parallel_loop3A_240, %parallel_loop3A_241], %parallel_loop3A_239 {strides = array<i32>} : memref<80x128xf32, #tpu.memory_space<vmem>>, vector<16xf32>,
        %parallel_loop3A_243 = tpu.vector_load_idx %arg8[%parallel_loop3A_238, %get3A_5] : memref<80x128xf32, #tpu.memory_space<vmem>>[vector<16xi32>, vector<16xi32>], vector<16xf32>,
        %parallel_loop3A_244 = arith.index_cast %parallel_loop3A_237 : i32 to index
        %parallel_loop3A_245 = arith.constant 16 : index
        %parallel_loop3A_246 = tpu.vector_load %arg13[%parallel_loop3A_244, %parallel_loop3A_245] {strides = array<i32>} : memref<80x128xf32, #tpu.memory_space<vmem>>, vector<16xf32>,
        tpu.vector_store %arg13[%parallel_loop3A_244, %parallel_loop3A_245], %parallel_loop3A_243 {strides = array<i32>} : memref<80x128xf32, #tpu.memory_space<vmem>>, vector<16xf32>,
        %parallel_loop3A_247 = tpu.vector_load_idx %arg8[%parallel_loop3A_238, %get3A_7] : memref<80x128xf32, #tpu.memory_space<vmem>>[vector<16xi32>, vector<16xi32>], vector<16xf32>,
        %parallel_loop3A_248 = arith.index_cast %parallel_loop3A_237 : i32 to index
        %parallel_loop3A_249 = arith.constant 32 : index
        %parallel_loop3A_250 = tpu.vector_load %arg13[%parallel_loop3A_248, %parallel_loop3A_249] {strides = array<i32>} : memref<80x128xf32, #tpu.memory_space<vmem>>, vector<16xf32>,
        tpu.vector_store %arg13[%parallel_loop3A_248, %parallel_loop3A_249], %parallel_loop3A_247 {strides = array<i32>} : memref<80x128xf32, #tpu.memory_space<vmem>>, vector<16xf32>,
        %parallel_loop3A_251 = tpu.vector_load_idx %arg8[%parallel_loop3A_238, %get3A_9] : memref<80x128xf32, #tpu.memory_space<vmem>>[vector<16xi32>, vector<16xi32>], vector<16xf32>,
        %parallel_loop3A_252 = arith.index_cast %parallel_loop3A_237 : i32 to index
        %parallel_loop3A_253 = arith.constant 48 : index
        %parallel_loop3A_254 = tpu.vector_load %arg13[%parallel_loop3A_252, %parallel_loop3A_253] {strides = array<i32>} : memref<80x128xf32, #tpu.memory_space<vmem>>, vector<16xf32>,
        tpu.vector_store %arg13[%parallel_loop3A_252, %parallel_loop3A_253], %parallel_loop3A_251 {strides = array<i32>} : memref<80x128xf32, #tpu.memory_space<vmem>>, vector<16xf32>,
        %parallel_loop3A_255 = tpu.vector_load_idx %arg8[%parallel_loop3A_238, %get3A_11] : memref<80x128xf32, #tpu.memory_space<vmem>>[vector<16xi32>, vector<16xi32>], vector<16xf32>,
        %parallel_loop3A_256 = arith.index_cast %parallel_loop3A_237 : i32 to index
        %parallel_loop3A_257 = arith.constant 64 : index
        %parallel_loop3A_258 = tpu.vector_load %arg13[%parallel_loop3A_256, %parallel_loop3A_257] {strides = array<i32>} : memref<80x128xf32, #tpu.memory_space<vmem>>, vector<16xf32>,
        tpu.vector_store %arg13[%parallel_loop3A_256, %parallel_loop3A_257], %parallel_loop3A_255 {strides = array<i32>} : memref<80x128xf32, #tpu.memory_space<vmem>>, vector<16xf32>,
        %parallel_loop3A_259 = tpu.vector_load_idx %arg8[%parallel_loop3A_238, %get3A_13] : memref<80x128xf32, #tpu.memory_space<vmem>>[vector<16xi32>, vector<16xi32>], vector<16xf32>,
        %parallel_loop3A_260 = arith.index_cast %parallel_loop3A_237 : i32 to index
        %parallel_loop3A_261 = arith.constant 80 : index
        %parallel_loop3A_262 = tpu.vector_load %arg13[%parallel_loop3A_260, %parallel_loop3A_261] {strides = array<i32>} : memref<80x128xf32, #tpu.memory_space<vmem>>, vector<16xf32>,
        tpu.vector_store %arg13[%parallel_loop3A_260, %parallel_loop3A_261], %parallel_loop3A_259 {strides = array<i32>} : memref<80x128xf32, #tpu.memory_space<vmem>>, vector<16xf32>,
        %parallel_loop3A_263 = tpu.vector_load_idx %arg8[%parallel_loop3A_238, %get3A_15] : memref<80x128xf32, #tpu.memory_space<vmem>>[vector<16xi32>, vector<16xi32>], vector<16xf32>,
        %parallel_loop3A_264 = arith.index_cast %parallel_loop3A_237 : i32 to index
        %parallel_loop3A_265 = arith.constant 96 : index
        %parallel_loop3A_266 = tpu.vector_load %arg13[%parallel_loop3A_264, %parallel_loop3A_265] {strides = array<i32>} : memref<80x128xf32, #tpu.memory_space<vmem>>, vector<16xf32>,
        tpu.vector_store %arg13[%parallel_loop3A_264, %parallel_loop3A_265], %parallel_loop3A_263 {strides = array<i32>} : memref<80x128xf32, #tpu.memory_space<vmem>>, vector<16xf32>,
        %parallel_loop3A_267 = tpu.vector_load_idx %arg8[%parallel_loop3A_238, %get3A_17] : memref<80x128xf32, #tpu.memory_space<vmem>>[vector<16xi32>, vector<16xi32>], vector<16xf32>,
        %parallel_loop3A_268 = arith.index_cast %parallel_loop3A_237 : i32 to index
        %parallel_loop3A_269 = arith.constant 112 : index
        %parallel_loop3A_270 = tpu.vector_load %arg13[%parallel_loop3A_268, %parallel_loop3A_269] {strides = array<i32>} : memref<80x128xf32, #tpu.memory_space<vmem>>, vector<16xf32>,
        tpu.vector_store %arg13[%parallel_loop3A_268, %parallel_loop3A_269], %parallel_loop3A_267 {strides = array<i32>} : memref<80x128xf32, #tpu.memory_space<vmem>>, vector<16xf32>,
      } {sc.loop_unroll_factor = 4 : i64, sc.parallel_access}
      %mul3A_160 = arith.constant 80 : i32
      %mul3A_161 = arith.muli %add3A_144, %mul3A_160 : i32
      %add3A_162 = arith.addi %mul3A_2, %mul3A_161 : i32
      %dma_start3A_163 = arith.constant 0 : i32
      %dma_start3A_164 = tpu.memref_slice %arg4[%add3A_162, %dma_start3A_163] : memref<409600x128xf32, #tpu.memory_space<hbm>> -> memref<80x128xf32, #tpu.memory_space<hbm>>
      %dma_start3A_165 = arith.constant 0 : i32
      %dma_start3A_166 = tpu.memref_slice %arg4[%add3A_162, %dma_start3A_165] : memref<409600x128xf32, #tpu.memory_space<hbm>> -> memref<80x128xf32, #tpu.memory_space<hbm>>
      tpu.enqueue_dma source(%arg13 : memref<80x128xf32, #tpu.memory_space<vmem>>) target(%dma_start3A_166 : memref<80x128xf32, #tpu.memory_space<hbm>>) target_semaphore(%arg23 : memref<!tpu.dma_semaphore, #tpu.memory_space<semaphore_mem>>)
      %add3A_167 = arith.constant 5 : i32
      %add3A_168 = arith.addi %add3A_144, %add3A_167 : i32
      %lt3A_169 = arith.constant 160 : i32
      %lt3A_170 = arith.cmpi slt, %add3A_168, %lt3A_169 : i32
      %convert_element_type3A_171 = arith.extui %lt3A_170 : i1 to i32
      %cond3A_172 = arith.constant 0 : i32
      %cond3A_173 = arith.cmpi ne, %convert_element_type3A_171, %cond3A_172 : i32
      scf.if %cond3A_173 {
        %add3A_237 = arith.constant 5 : i32
        %add3A_238 = arith.addi %add3A_144, %add3A_237 : i32
        %mul3A_239 = arith.constant 80 : i32
        %mul3A_240 = arith.muli %add3A_238, %mul3A_239 : i32
        %add3A_241 = arith.addi %mul3A_2, %mul3A_240 : i32
        %dma_start3A_242 = arith.constant 0 : i32
        %dma_start3A_243 = tpu.memref_slice %arg2[%add3A_241, %dma_start3A_242] : memref<409600x128xf32, #tpu.memory_space<hbm>> -> memref<80x128xf32, #tpu.memory_space<hbm>>
        %dma_start3A_244 = arith.constant 0 : i32
        %dma_start3A_245 = tpu.memref_slice %arg2[%add3A_241, %dma_start3A_244] : memref<409600x128xf32, #tpu.memory_space<hbm>> -> memref<80x128xf32, #tpu.memory_space<hbm>>
        tpu.enqueue_dma source(%dma_start3A_245 : memref<80x128xf32, #tpu.memory_space<hbm>>) target(%arg8 : memref<80x128xf32, #tpu.memory_space<vmem>>) target_semaphore(%arg18 : memref<!tpu.dma_semaphore, #tpu.memory_space<semaphore_mem>>)
      } else {
      }
      %add3A_174 = arith.constant 3 : i32
      %add3A_175 = arith.addi %mul3A_85, %add3A_174 : i32
      %mul3A_176 = arith.constant 80 : i32
      %mul3A_177 = arith.muli %add3A_175, %mul3A_176 : i32
      %add3A_178 = arith.addi %mul3A_2, %mul3A_177 : i32
      %dma_wait3A_179 = arith.constant 0 : i32
      %dma_wait3A_180 = tpu.memref_slice %arg2[%add3A_178, %dma_wait3A_179] : memref<409600x128xf32, #tpu.memory_space<hbm>> -> memref<80x128xf32, #tpu.memory_space<hbm>>
      %dma_wait3A_181 = arith.constant 0 : i32
      %dma_wait3A_182 = tpu.memref_slice %arg2[%add3A_178, %dma_wait3A_181] : memref<409600x128xf32, #tpu.memory_space<hbm>> -> memref<80x128xf32, #tpu.memory_space<hbm>>
      tpu.wait_dma2 semaphore(%arg19 : memref<!tpu.dma_semaphore, #tpu.memory_space<semaphore_mem>>) src(%dma_wait3A_182 : memref<80x128xf32, #tpu.memory_space<hbm>>) dst(%arg9 : memref<80x128xf32, #tpu.memory_space<vmem>>)
      %gt3A_183 = arith.constant 0 : i32
      %gt3A_184 = arith.cmpi sgt, %scan3A_82, %gt3A_183 : i32
      %convert_element_type3A_185 = arith.extui %gt3A_184 : i1 to i32
      %cond3A_186 = arith.constant 0 : i32
      %cond3A_187 = arith.cmpi ne, %convert_element_type3A_185, %cond3A_186 : i32
      scf.if %cond3A_187 {
        %mul3A_237 = arith.constant 80 : i32
        %mul3A_238 = arith.muli %add3A_175, %mul3A_237 : i32
        %add3A_239 = arith.addi %mul3A_2, %mul3A_238 : i32
        %dma_wait3A_240 = arith.constant 0 : i32
        %dma_wait3A_241 = tpu.memref_slice %arg4[%add3A_239, %dma_wait3A_240] : memref<409600x128xf32, #tpu.memory_space<hbm>> -> memref<80x128xf32, #tpu.memory_space<hbm>>
        %dma_wait3A_242 = arith.constant 0 : i32
        %dma_wait3A_243 = tpu.memref_slice %arg4[%add3A_239, %dma_wait3A_242] : memref<409600x128xf32, #tpu.memory_space<hbm>> -> memref<80x128xf32, #tpu.memory_space<hbm>>
        tpu.wait_dma2 semaphore(%arg24 : memref<!tpu.dma_semaphore, #tpu.memory_space<semaphore_mem>>) src(%arg14 : memref<80x128xf32, #tpu.memory_space<vmem>>) dst(%dma_wait3A_243 : memref<80x128xf32, #tpu.memory_space<hbm>>)
      } else {
      }
      %parallel_loop3A_188 = arith.constant 0 : i32
      %parallel_loop3A_189 = arith.constant 80 : i32
      %parallel_loop3A_190 = arith.constant 1 : i32
      scf.for %parallel_loop3A_237 = %parallel_loop3A_188 to %parallel_loop3A_189 step %parallel_loop3A_190  : i32 {
        %parallel_loop3A_238 = vector.broadcast %parallel_loop3A_237 : i32 to vector<16xi32>
        %parallel_loop3A_239 = tpu.vector_load_idx %arg9[%parallel_loop3A_238, %get3A_3] : memref<80x128xf32, #tpu.memory_space<vmem>>[vector<16xi32>, vector<16xi32>], vector<16xf32>,
        %parallel_loop3A_240 = arith.index_cast %parallel_loop3A_237 : i32 to index
        %parallel_loop3A_241 = arith.constant 0 : index
        %parallel_loop3A_242 = tpu.vector_load %arg14[%parallel_loop3A_240, %parallel_loop3A_241] {strides = array<i32>} : memref<80x128xf32, #tpu.memory_space<vmem>>, vector<16xf32>,
        tpu.vector_store %arg14[%parallel_loop3A_240, %parallel_loop3A_241], %parallel_loop3A_239 {strides = array<i32>} : memref<80x128xf32, #tpu.memory_space<vmem>>, vector<16xf32>,
        %parallel_loop3A_243 = tpu.vector_load_idx %arg9[%parallel_loop3A_238, %get3A_5] : memref<80x128xf32, #tpu.memory_space<vmem>>[vector<16xi32>, vector<16xi32>], vector<16xf32>,
        %parallel_loop3A_244 = arith.index_cast %parallel_loop3A_237 : i32 to index
        %parallel_loop3A_245 = arith.constant 16 : index
        %parallel_loop3A_246 = tpu.vector_load %arg14[%parallel_loop3A_244, %parallel_loop3A_245] {strides = array<i32>} : memref<80x128xf32, #tpu.memory_space<vmem>>, vector<16xf32>,
        tpu.vector_store %arg14[%parallel_loop3A_244, %parallel_loop3A_245], %parallel_loop3A_243 {strides = array<i32>} : memref<80x128xf32, #tpu.memory_space<vmem>>, vector<16xf32>,
        %parallel_loop3A_247 = tpu.vector_load_idx %arg9[%parallel_loop3A_238, %get3A_7] : memref<80x128xf32, #tpu.memory_space<vmem>>[vector<16xi32>, vector<16xi32>], vector<16xf32>,
        %parallel_loop3A_248 = arith.index_cast %parallel_loop3A_237 : i32 to index
        %parallel_loop3A_249 = arith.constant 32 : index
        %parallel_loop3A_250 = tpu.vector_load %arg14[%parallel_loop3A_248, %parallel_loop3A_249] {strides = array<i32>} : memref<80x128xf32, #tpu.memory_space<vmem>>, vector<16xf32>,
        tpu.vector_store %arg14[%parallel_loop3A_248, %parallel_loop3A_249], %parallel_loop3A_247 {strides = array<i32>} : memref<80x128xf32, #tpu.memory_space<vmem>>, vector<16xf32>,
        %parallel_loop3A_251 = tpu.vector_load_idx %arg9[%parallel_loop3A_238, %get3A_9] : memref<80x128xf32, #tpu.memory_space<vmem>>[vector<16xi32>, vector<16xi32>], vector<16xf32>,
        %parallel_loop3A_252 = arith.index_cast %parallel_loop3A_237 : i32 to index
        %parallel_loop3A_253 = arith.constant 48 : index
        %parallel_loop3A_254 = tpu.vector_load %arg14[%parallel_loop3A_252, %parallel_loop3A_253] {strides = array<i32>} : memref<80x128xf32, #tpu.memory_space<vmem>>, vector<16xf32>,
        tpu.vector_store %arg14[%parallel_loop3A_252, %parallel_loop3A_253], %parallel_loop3A_251 {strides = array<i32>} : memref<80x128xf32, #tpu.memory_space<vmem>>, vector<16xf32>,
        %parallel_loop3A_255 = tpu.vector_load_idx %arg9[%parallel_loop3A_238, %get3A_11] : memref<80x128xf32, #tpu.memory_space<vmem>>[vector<16xi32>, vector<16xi32>], vector<16xf32>,
        %parallel_loop3A_256 = arith.index_cast %parallel_loop3A_237 : i32 to index
        %parallel_loop3A_257 = arith.constant 64 : index
        %parallel_loop3A_258 = tpu.vector_load %arg14[%parallel_loop3A_256, %parallel_loop3A_257] {strides = array<i32>} : memref<80x128xf32, #tpu.memory_space<vmem>>, vector<16xf32>,
        tpu.vector_store %arg14[%parallel_loop3A_256, %parallel_loop3A_257], %parallel_loop3A_255 {strides = array<i32>} : memref<80x128xf32, #tpu.memory_space<vmem>>, vector<16xf32>,
        %parallel_loop3A_259 = tpu.vector_load_idx %arg9[%parallel_loop3A_238, %get3A_13] : memref<80x128xf32, #tpu.memory_space<vmem>>[vector<16xi32>, vector<16xi32>], vector<16xf32>,
        %parallel_loop3A_260 = arith.index_cast %parallel_loop3A_237 : i32 to index
        %parallel_loop3A_261 = arith.constant 80 : index
        %parallel_loop3A_262 = tpu.vector_load %arg14[%parallel_loop3A_260, %parallel_loop3A_261] {strides = array<i32>} : memref<80x128xf32, #tpu.memory_space<vmem>>, vector<16xf32>,
        tpu.vector_store %arg14[%parallel_loop3A_260, %parallel_loop3A_261], %parallel_loop3A_259 {strides = array<i32>} : memref<80x128xf32, #tpu.memory_space<vmem>>, vector<16xf32>,
        %parallel_loop3A_263 = tpu.vector_load_idx %arg9[%parallel_loop3A_238, %get3A_15] : memref<80x128xf32, #tpu.memory_space<vmem>>[vector<16xi32>, vector<16xi32>], vector<16xf32>,
        %parallel_loop3A_264 = arith.index_cast %parallel_loop3A_237 : i32 to index
        %parallel_loop3A_265 = arith.constant 96 : index
        %parallel_loop3A_266 = tpu.vector_load %arg14[%parallel_loop3A_264, %parallel_loop3A_265] {strides = array<i32>} : memref<80x128xf32, #tpu.memory_space<vmem>>, vector<16xf32>,
        tpu.vector_store %arg14[%parallel_loop3A_264, %parallel_loop3A_265], %parallel_loop3A_263 {strides = array<i32>} : memref<80x128xf32, #tpu.memory_space<vmem>>, vector<16xf32>,
        %parallel_loop3A_267 = tpu.vector_load_idx %arg9[%parallel_loop3A_238, %get3A_17] : memref<80x128xf32, #tpu.memory_space<vmem>>[vector<16xi32>, vector<16xi32>], vector<16xf32>,
        %parallel_loop3A_268 = arith.index_cast %parallel_loop3A_237 : i32 to index
        %parallel_loop3A_269 = arith.constant 112 : index
        %parallel_loop3A_270 = tpu.vector_load %arg14[%parallel_loop3A_268, %parallel_loop3A_269] {strides = array<i32>} : memref<80x128xf32, #tpu.memory_space<vmem>>, vector<16xf32>,
        tpu.vector_store %arg14[%parallel_loop3A_268, %parallel_loop3A_269], %parallel_loop3A_267 {strides = array<i32>} : memref<80x128xf32, #tpu.memory_space<vmem>>, vector<16xf32>,
      } {sc.loop_unroll_factor = 4 : i64, sc.parallel_access}
      %mul3A_191 = arith.constant 80 : i32
      %mul3A_192 = arith.muli %add3A_175, %mul3A_191 : i32
      %add3A_193 = arith.addi %mul3A_2, %mul3A_192 : i32
      %dma_start3A_194 = arith.constant 0 : i32
      %dma_start3A_195 = tpu.memref_slice %arg4[%add3A_193, %dma_start3A_194] : memref<409600x128xf32, #tpu.memory_space<hbm>> -> memref<80x128xf32, #tpu.memory_space<hbm>>
      %dma_start3A_196 = arith.constant 0 : i32
      %dma_start3A_197 = tpu.memref_slice %arg4[%add3A_193, %dma_start3A_196] : memref<409600x128xf32, #tpu.memory_space<hbm>> -> memref<80x128xf32, #tpu.memory_space<hbm>>
      tpu.enqueue_dma source(%arg14 : memref<80x128xf32, #tpu.memory_space<vmem>>) target(%dma_start3A_197 : memref<80x128xf32, #tpu.memory_space<hbm>>) target_semaphore(%arg24 : memref<!tpu.dma_semaphore, #tpu.memory_space<semaphore_mem>>)
      %add3A_198 = arith.constant 5 : i32
      %add3A_199 = arith.addi %add3A_175, %add3A_198 : i32
      %lt3A_200 = arith.constant 160 : i32
      %lt3A_201 = arith.cmpi slt, %add3A_199, %lt3A_200 : i32
      %convert_element_type3A_202 = arith.extui %lt3A_201 : i1 to i32
      %cond3A_203 = arith.constant 0 : i32
      %cond3A_204 = arith.cmpi ne, %convert_element_type3A_202, %cond3A_203 : i32
      scf.if %cond3A_204 {
        %add3A_237 = arith.constant 5 : i32
        %add3A_238 = arith.addi %add3A_175, %add3A_237 : i32
        %mul3A_239 = arith.constant 80 : i32
        %mul3A_240 = arith.muli %add3A_238, %mul3A_239 : i32
        %add3A_241 = arith.addi %mul3A_2, %mul3A_240 : i32
        %dma_start3A_242 = arith.constant 0 : i32
        %dma_start3A_243 = tpu.memref_slice %arg2[%add3A_241, %dma_start3A_242] : memref<409600x128xf32, #tpu.memory_space<hbm>> -> memref<80x128xf32, #tpu.memory_space<hbm>>
        %dma_start3A_244 = arith.constant 0 : i32
        %dma_start3A_245 = tpu.memref_slice %arg2[%add3A_241, %dma_start3A_244] : memref<409600x128xf32, #tpu.memory_space<hbm>> -> memref<80x128xf32, #tpu.memory_space<hbm>>
        tpu.enqueue_dma source(%dma_start3A_245 : memref<80x128xf32, #tpu.memory_space<hbm>>) target(%arg9 : memref<80x128xf32, #tpu.memory_space<vmem>>) target_semaphore(%arg19 : memref<!tpu.dma_semaphore, #tpu.memory_space<semaphore_mem>>)
      } else {
      }
      %add3A_205 = arith.constant 4 : i32
      %add3A_206 = arith.addi %mul3A_85, %add3A_205 : i32
      %mul3A_207 = arith.constant 80 : i32
      %mul3A_208 = arith.muli %add3A_206, %mul3A_207 : i32
      %add3A_209 = arith.addi %mul3A_2, %mul3A_208 : i32
      %dma_wait3A_210 = arith.constant 0 : i32
      %dma_wait3A_211 = tpu.memref_slice %arg2[%add3A_209, %dma_wait3A_210] : memref<409600x128xf32, #tpu.memory_space<hbm>> -> memref<80x128xf32, #tpu.memory_space<hbm>>
      %dma_wait3A_212 = arith.constant 0 : i32
      %dma_wait3A_213 = tpu.memref_slice %arg2[%add3A_209, %dma_wait3A_212] : memref<409600x128xf32, #tpu.memory_space<hbm>> -> memref<80x128xf32, #tpu.memory_space<hbm>>
      tpu.wait_dma2 semaphore(%arg20 : memref<!tpu.dma_semaphore, #tpu.memory_space<semaphore_mem>>) src(%dma_wait3A_213 : memref<80x128xf32, #tpu.memory_space<hbm>>) dst(%arg10 : memref<80x128xf32, #tpu.memory_space<vmem>>)
      %gt3A_214 = arith.constant 0 : i32
      %gt3A_215 = arith.cmpi sgt, %scan3A_82, %gt3A_214 : i32
      %convert_element_type3A_216 = arith.extui %gt3A_215 : i1 to i32
      %cond3A_217 = arith.constant 0 : i32
      %cond3A_218 = arith.cmpi ne, %convert_element_type3A_216, %cond3A_217 : i32
      scf.if %cond3A_218 {
        %mul3A_237 = arith.constant 80 : i32
        %mul3A_238 = arith.muli %add3A_206, %mul3A_237 : i32
        %add3A_239 = arith.addi %mul3A_2, %mul3A_238 : i32
        %dma_wait3A_240 = arith.constant 0 : i32
        %dma_wait3A_241 = tpu.memref_slice %arg4[%add3A_239, %dma_wait3A_240] : memref<409600x128xf32, #tpu.memory_space<hbm>> -> memref<80x128xf32, #tpu.memory_space<hbm>>
        %dma_wait3A_242 = arith.constant 0 : i32
        %dma_wait3A_243 = tpu.memref_slice %arg4[%add3A_239, %dma_wait3A_242] : memref<409600x128xf32, #tpu.memory_space<hbm>> -> memref<80x128xf32, #tpu.memory_space<hbm>>
        tpu.wait_dma2 semaphore(%arg25 : memref<!tpu.dma_semaphore, #tpu.memory_space<semaphore_mem>>) src(%arg15 : memref<80x128xf32, #tpu.memory_space<vmem>>) dst(%dma_wait3A_243 : memref<80x128xf32, #tpu.memory_space<hbm>>)
      } else {
      }
      %parallel_loop3A_219 = arith.constant 0 : i32
      %parallel_loop3A_220 = arith.constant 80 : i32
      %parallel_loop3A_221 = arith.constant 1 : i32
      scf.for %parallel_loop3A_237 = %parallel_loop3A_219 to %parallel_loop3A_220 step %parallel_loop3A_221  : i32 {
        %parallel_loop3A_238 = vector.broadcast %parallel_loop3A_237 : i32 to vector<16xi32>
        %parallel_loop3A_239 = tpu.vector_load_idx %arg10[%parallel_loop3A_238, %get3A_3] : memref<80x128xf32, #tpu.memory_space<vmem>>[vector<16xi32>, vector<16xi32>], vector<16xf32>,
        %parallel_loop3A_240 = arith.index_cast %parallel_loop3A_237 : i32 to index
        %parallel_loop3A_241 = arith.constant 0 : index
        %parallel_loop3A_242 = tpu.vector_load %arg15[%parallel_loop3A_240, %parallel_loop3A_241] {strides = array<i32>} : memref<80x128xf32, #tpu.memory_space<vmem>>, vector<16xf32>,
        tpu.vector_store %arg15[%parallel_loop3A_240, %parallel_loop3A_241], %parallel_loop3A_239 {strides = array<i32>} : memref<80x128xf32, #tpu.memory_space<vmem>>, vector<16xf32>,
        %parallel_loop3A_243 = tpu.vector_load_idx %arg10[%parallel_loop3A_238, %get3A_5] : memref<80x128xf32, #tpu.memory_space<vmem>>[vector<16xi32>, vector<16xi32>], vector<16xf32>,
        %parallel_loop3A_244 = arith.index_cast %parallel_loop3A_237 : i32 to index
        %parallel_loop3A_245 = arith.constant 16 : index
        %parallel_loop3A_246 = tpu.vector_load %arg15[%parallel_loop3A_244, %parallel_loop3A_245] {strides = array<i32>} : memref<80x128xf32, #tpu.memory_space<vmem>>, vector<16xf32>,
        tpu.vector_store %arg15[%parallel_loop3A_244, %parallel_loop3A_245], %parallel_loop3A_243 {strides = array<i32>} : memref<80x128xf32, #tpu.memory_space<vmem>>, vector<16xf32>,
        %parallel_loop3A_247 = tpu.vector_load_idx %arg10[%parallel_loop3A_238, %get3A_7] : memref<80x128xf32, #tpu.memory_space<vmem>>[vector<16xi32>, vector<16xi32>], vector<16xf32>,
        %parallel_loop3A_248 = arith.index_cast %parallel_loop3A_237 : i32 to index
        %parallel_loop3A_249 = arith.constant 32 : index
        %parallel_loop3A_250 = tpu.vector_load %arg15[%parallel_loop3A_248, %parallel_loop3A_249] {strides = array<i32>} : memref<80x128xf32, #tpu.memory_space<vmem>>, vector<16xf32>,
        tpu.vector_store %arg15[%parallel_loop3A_248, %parallel_loop3A_249], %parallel_loop3A_247 {strides = array<i32>} : memref<80x128xf32, #tpu.memory_space<vmem>>, vector<16xf32>,
        %parallel_loop3A_251 = tpu.vector_load_idx %arg10[%parallel_loop3A_238, %get3A_9] : memref<80x128xf32, #tpu.memory_space<vmem>>[vector<16xi32>, vector<16xi32>], vector<16xf32>,
        %parallel_loop3A_252 = arith.index_cast %parallel_loop3A_237 : i32 to index
        %parallel_loop3A_253 = arith.constant 48 : index
        %parallel_loop3A_254 = tpu.vector_load %arg15[%parallel_loop3A_252, %parallel_loop3A_253] {strides = array<i32>} : memref<80x128xf32, #tpu.memory_space<vmem>>, vector<16xf32>,
        tpu.vector_store %arg15[%parallel_loop3A_252, %parallel_loop3A_253], %parallel_loop3A_251 {strides = array<i32>} : memref<80x128xf32, #tpu.memory_space<vmem>>, vector<16xf32>,
        %parallel_loop3A_255 = tpu.vector_load_idx %arg10[%parallel_loop3A_238, %get3A_11] : memref<80x128xf32, #tpu.memory_space<vmem>>[vector<16xi32>, vector<16xi32>], vector<16xf32>,
        %parallel_loop3A_256 = arith.index_cast %parallel_loop3A_237 : i32 to index
        %parallel_loop3A_257 = arith.constant 64 : index
        %parallel_loop3A_258 = tpu.vector_load %arg15[%parallel_loop3A_256, %parallel_loop3A_257] {strides = array<i32>} : memref<80x128xf32, #tpu.memory_space<vmem>>, vector<16xf32>,
        tpu.vector_store %arg15[%parallel_loop3A_256, %parallel_loop3A_257], %parallel_loop3A_255 {strides = array<i32>} : memref<80x128xf32, #tpu.memory_space<vmem>>, vector<16xf32>,
        %parallel_loop3A_259 = tpu.vector_load_idx %arg10[%parallel_loop3A_238, %get3A_13] : memref<80x128xf32, #tpu.memory_space<vmem>>[vector<16xi32>, vector<16xi32>], vector<16xf32>,
        %parallel_loop3A_260 = arith.index_cast %parallel_loop3A_237 : i32 to index
        %parallel_loop3A_261 = arith.constant 80 : index
        %parallel_loop3A_262 = tpu.vector_load %arg15[%parallel_loop3A_260, %parallel_loop3A_261] {strides = array<i32>} : memref<80x128xf32, #tpu.memory_space<vmem>>, vector<16xf32>,
        tpu.vector_store %arg15[%parallel_loop3A_260, %parallel_loop3A_261], %parallel_loop3A_259 {strides = array<i32>} : memref<80x128xf32, #tpu.memory_space<vmem>>, vector<16xf32>,
        %parallel_loop3A_263 = tpu.vector_load_idx %arg10[%parallel_loop3A_238, %get3A_15] : memref<80x128xf32, #tpu.memory_space<vmem>>[vector<16xi32>, vector<16xi32>], vector<16xf32>,
        %parallel_loop3A_264 = arith.index_cast %parallel_loop3A_237 : i32 to index
        %parallel_loop3A_265 = arith.constant 96 : index
        %parallel_loop3A_266 = tpu.vector_load %arg15[%parallel_loop3A_264, %parallel_loop3A_265] {strides = array<i32>} : memref<80x128xf32, #tpu.memory_space<vmem>>, vector<16xf32>,
        tpu.vector_store %arg15[%parallel_loop3A_264, %parallel_loop3A_265], %parallel_loop3A_263 {strides = array<i32>} : memref<80x128xf32, #tpu.memory_space<vmem>>, vector<16xf32>,
        %parallel_loop3A_267 = tpu.vector_load_idx %arg10[%parallel_loop3A_238, %get3A_17] : memref<80x128xf32, #tpu.memory_space<vmem>>[vector<16xi32>, vector<16xi32>], vector<16xf32>,
        %parallel_loop3A_268 = arith.index_cast %parallel_loop3A_237 : i32 to index
        %parallel_loop3A_269 = arith.constant 112 : index
        %parallel_loop3A_270 = tpu.vector_load %arg15[%parallel_loop3A_268, %parallel_loop3A_269] {strides = array<i32>} : memref<80x128xf32, #tpu.memory_space<vmem>>, vector<16xf32>,
        tpu.vector_store %arg15[%parallel_loop3A_268, %parallel_loop3A_269], %parallel_loop3A_267 {strides = array<i32>} : memref<80x128xf32, #tpu.memory_space<vmem>>, vector<16xf32>,
      } {sc.loop_unroll_factor = 4 : i64, sc.parallel_access}
      %mul3A_222 = arith.constant 80 : i32
      %mul3A_223 = arith.muli %add3A_206, %mul3A_222 : i32
      %add3A_224 = arith.addi %mul3A_2, %mul3A_223 : i32
      %dma_start3A_225 = arith.constant 0 : i32
      %dma_start3A_226 = tpu.memref_slice %arg4[%add3A_224, %dma_start3A_225] : memref<409600x128xf32, #tpu.memory_space<hbm>> -> memref<80x128xf32, #tpu.memory_space<hbm>>
      %dma_start3A_227 = arith.constant 0 : i32
      %dma_start3A_228 = tpu.memref_slice %arg4[%add3A_224, %dma_start3A_227] : memref<409600x128xf32, #tpu.memory_space<hbm>> -> memref<80x128xf32, #tpu.memory_space<hbm>>
      tpu.enqueue_dma source(%arg15 : memref<80x128xf32, #tpu.memory_space<vmem>>) target(%dma_start3A_228 : memref<80x128xf32, #tpu.memory_space<hbm>>) target_semaphore(%arg25 : memref<!tpu.dma_semaphore, #tpu.memory_space<semaphore_mem>>)
      %add3A_229 = arith.constant 5 : i32
      %add3A_230 = arith.addi %add3A_206, %add3A_229 : i32
      %lt3A_231 = arith.constant 160 : i32
      %lt3A_232 = arith.cmpi slt, %add3A_230, %lt3A_231 : i32
      %convert_element_type3A_233 = arith.extui %lt3A_232 : i1 to i32
      %cond3A_234 = arith.constant 0 : i32
      %cond3A_235 = arith.cmpi ne, %convert_element_type3A_233, %cond3A_234 : i32
      scf.if %cond3A_235 {
        %add3A_237 = arith.constant 5 : i32
        %add3A_238 = arith.addi %add3A_206, %add3A_237 : i32
        %mul3A_239 = arith.constant 80 : i32
        %mul3A_240 = arith.muli %add3A_238, %mul3A_239 : i32
        %add3A_241 = arith.addi %mul3A_2, %mul3A_240 : i32
        %dma_start3A_242 = arith.constant 0 : i32
        %dma_start3A_243 = tpu.memref_slice %arg2[%add3A_241, %dma_start3A_242] : memref<409600x128xf32, #tpu.memory_space<hbm>> -> memref<80x128xf32, #tpu.memory_space<hbm>>
        %dma_start3A_244 = arith.constant 0 : i32
        %dma_start3A_245 = tpu.memref_slice %arg2[%add3A_241, %dma_start3A_244] : memref<409600x128xf32, #tpu.memory_space<hbm>> -> memref<80x128xf32, #tpu.memory_space<hbm>>
        tpu.enqueue_dma source(%dma_start3A_245 : memref<80x128xf32, #tpu.memory_space<hbm>>) target(%arg10 : memref<80x128xf32, #tpu.memory_space<vmem>>) target_semaphore(%arg20 : memref<!tpu.dma_semaphore, #tpu.memory_space<semaphore_mem>>)
      } else {
      }
      %scan3A_236 = arith.constant 0 : i32
      scf.yield %scan3A_236 : i32
    }
    %scan3A_52 = arith.constant 32 : i32
    %add3A_53 = arith.constant 12400 : i32
    %add3A_54 = arith.addi %mul3A_2, %add3A_53 : i32
    %dma_wait3A = arith.constant 0 : i32
    %dma_wait3A_55 = tpu.memref_slice %arg4[%add3A_54, %dma_wait3A] : memref<409600x128xf32, #tpu.memory_space<hbm>> -> memref<80x128xf32, #tpu.memory_space<hbm>>
    %dma_wait3A_56 = arith.constant 0 : i32
    %dma_wait3A_57 = tpu.memref_slice %arg4[%add3A_54, %dma_wait3A_56] : memref<409600x128xf32, #tpu.memory_space<hbm>> -> memref<80x128xf32, #tpu.memory_space<hbm>>
    tpu.wait_dma2 semaphore(%arg21 : memref<!tpu.dma_semaphore, #tpu.memory_space<semaphore_mem>>) src(%arg11 : memref<80x128xf32, #tpu.memory_space<vmem>>) dst(%dma_wait3A_57 : memref<80x128xf32, #tpu.memory_space<hbm>>)
    %add3A_58 = arith.constant 12480 : i32
    %add3A_59 = arith.addi %mul3A_2, %add3A_58 : i32
    %dma_wait3A_60 = arith.constant 0 : i32
    %dma_wait3A_61 = tpu.memref_slice %arg4[%add3A_59, %dma_wait3A_60] : memref<409600x128xf32, #tpu.memory_space<hbm>> -> memref<80x128xf32, #tpu.memory_space<hbm>>
    %dma_wait3A_62 = arith.constant 0 : i32
    %dma_wait3A_63 = tpu.memref_slice %arg4[%add3A_59, %dma_wait3A_62] : memref<409600x128xf32, #tpu.memory_space<hbm>> -> memref<80x128xf32, #tpu.memory_space<hbm>>
    tpu.wait_dma2 semaphore(%arg22 : memref<!tpu.dma_semaphore, #tpu.memory_space<semaphore_mem>>) src(%arg12 : memref<80x128xf32, #tpu.memory_space<vmem>>) dst(%dma_wait3A_63 : memref<80x128xf32, #tpu.memory_space<hbm>>)
    %add3A_64 = arith.constant 12560 : i32
    %add3A_65 = arith.addi %mul3A_2, %add3A_64 : i32
    %dma_wait3A_66 = arith.constant 0 : i32
    %dma_wait3A_67 = tpu.memref_slice %arg4[%add3A_65, %dma_wait3A_66] : memref<409600x128xf32, #tpu.memory_space<hbm>> -> memref<80x128xf32, #tpu.memory_space<hbm>>
    %dma_wait3A_68 = arith.constant 0 : i32
    %dma_wait3A_69 = tpu.memref_slice %arg4[%add3A_65, %dma_wait3A_68] : memref<409600x128xf32, #tpu.memory_space<hbm>> -> memref<80x128xf32, #tpu.memory_space<hbm>>
    tpu.wait_dma2 semaphore(%arg23 : memref<!tpu.dma_semaphore, #tpu.memory_space<semaphore_mem>>) src(%arg13 : memref<80x128xf32, #tpu.memory_space<vmem>>) dst(%dma_wait3A_69 : memref<80x128xf32, #tpu.memory_space<hbm>>)
    %add3A_70 = arith.constant 12640 : i32
    %add3A_71 = arith.addi %mul3A_2, %add3A_70 : i32
    %dma_wait3A_72 = arith.constant 0 : i32
    %dma_wait3A_73 = tpu.memref_slice %arg4[%add3A_71, %dma_wait3A_72] : memref<409600x128xf32, #tpu.memory_space<hbm>> -> memref<80x128xf32, #tpu.memory_space<hbm>>
    %dma_wait3A_74 = arith.constant 0 : i32
    %dma_wait3A_75 = tpu.memref_slice %arg4[%add3A_71, %dma_wait3A_74] : memref<409600x128xf32, #tpu.memory_space<hbm>> -> memref<80x128xf32, #tpu.memory_space<hbm>>
    tpu.wait_dma2 semaphore(%arg24 : memref<!tpu.dma_semaphore, #tpu.memory_space<semaphore_mem>>) src(%arg14 : memref<80x128xf32, #tpu.memory_space<vmem>>) dst(%dma_wait3A_75 : memref<80x128xf32, #tpu.memory_space<hbm>>)
    %add3A_76 = arith.constant 12720 : i32
    %add3A_77 = arith.addi %mul3A_2, %add3A_76 : i32
    %dma_wait3A_78 = arith.constant 0 : i32
    %dma_wait3A_79 = tpu.memref_slice %arg4[%add3A_77, %dma_wait3A_78] : memref<409600x128xf32, #tpu.memory_space<hbm>> -> memref<80x128xf32, #tpu.memory_space<hbm>>
    %dma_wait3A_80 = arith.constant 0 : i32
    %dma_wait3A_81 = tpu.memref_slice %arg4[%add3A_77, %dma_wait3A_80] : memref<409600x128xf32, #tpu.memory_space<hbm>> -> memref<80x128xf32, #tpu.memory_space<hbm>>
    tpu.wait_dma2 semaphore(%arg25 : memref<!tpu.dma_semaphore, #tpu.memory_space<semaphore_mem>>) src(%arg15 : memref<80x128xf32, #tpu.memory_space<vmem>>) dst(%dma_wait3A_81 : memref<80x128xf32, #tpu.memory_space<hbm>>)
    return
  }
}

</mosaic_0001>

<sc_bundles>
// kernel: kernel.3.cloned.1.call-start
scs
__scs_entry_jumppad:
0x0: {  	(pc) =	sbr.rel $0x88, $3  }
0x1: {  	(tag) =	ssettag $0x0;
	lr =	simm.s32 $0x1  }
0x2: {  	[smem:$0x3F9F] =	sst lr;
	_ =	strace $0xD0000000  }
0x3: {  	_ = 	snop  }
0x4: {  	_ = 	snop  }
0x5: {  	_ = 	snop  }
0x6: {  	_ = 	snop  }
0x7: {  	_ = 	snop  }
__scs_overlays_trampoline_lowered:
0x8: {  	[smem:$0x3FAE] =	sst s0  }
0x9: {  	[smem:$0x3FAF] =	sst s1  }
0xa: {  	[smem:$0x3FB0] =	sst s2  }
0xb: {  	[smem:$0x3FB1] =	sst s3  }
0xc: {  	[smem:$0x3FB2] =	sst s4  }
0xd: {  	[smem:$0x3FB3] =	sst s5  }
0xe: {  	[smem:$0x3FB4] =	sst s6  }
0xf: {  	[smem:$0x3FB5] =	sst s7  }
0x10: {  	[smem:$0x3FB6] =	sst s8  }
0x11: {  	[smem:$0x3FB7] =	sst s9;
	s0 =	simm.s32 @!p0 $0x0  }
0x12: {  	s1 =	sld [smem:$0x3F9D];
	s0 =	simm.s32 @p0 $0x1  }
0x13: {  	[smem:$0x3FB8] =	sst s0;
	s0 =	simm.s32 @!p1 $0x0  }
0x14: {  	s2 =	sld [smem:$0x3F9C];
	s0 =	simm.s32 @p1 $0x1  }
0x15: {  	[smem:$0x3FB9] =	sst s0;
	s0 =	simm.s32 @!p2 $0x0  }
0x16: {  	s3 =	sld [smem:$0x3FDB];
	s0 =	simm.s32 @p2 $0x1  }
0x17: {  	s4 =	simm.s32 $0x1BF5;
	[smem:$0x3FBB] =	sst s0  }
0x18: {  	s0 =	sld [smem:$0x3F9E];
	_ =	swait.ge [sflag:s4], $0x0  }
0x19: {  	s7 =	sld [smem:$0x3F9F]  }
0x1a: {  	s8 =	sadd.s32 $0xFFFFE003, lr  }
0x1b: {  	s9 =	sadd.s32 $0xFFFFFEF7, lr;
	s5 =	simm.s32 $0xFFFFFFFF;
	p2 =	slt.u32 s8, $0xFFFFF086  }
0x1c: {  	p1 =	slt.u32 s9, $0xF7A;
	s5 =	simm.s32 @!p2 $0x0  }
0x1d: {  	s5 =	simm.s32 @p1 $0x1;
	p0 =	seq.s32 s7, s2  }
0x1e: {  	s7 =	smul.u32 @!p0 $0xF7A, s2;
	p2 =	seq.s32 @!p0 s5, $0x0  }
0x1f: {  	s9 =	smul.u32 $0xF7A, s1;
	s8 =	simm.s32 @!p0 $0x1BF5;
	p2 =	por !p2, p0  }
0x20: {  	[sflag:s8] =	ssyncset.s32 @!p0 $0xFFFFF086;
	s6 =	sadd.s32 @!p0 s3, s7;
	s7 =	simm.s32 @!p0 $0x108  }
0x21: {  	s3 =	sadd.s32 s3, s9;
	s6 =	sadd.s32 @!p0 $0x88, s6;
	s7 =	simm.s32 @p2 $0x1082  }
0x22: {  	[simem:s7], [sflag:s8] =	dma.local @!p0 [hbm:s6], $0xF7A  }
0x23: {  	s9 =	sor.u32 $0xD0000000, s2;
	s6 =	simm.s32 $0x108;
	_ =	swait.ge @!p0 [sflag:s8], $0x0  }
0x24: {  	s3 =	sadd.s32 $0x88, s3;
	s6 =	simm.s32 @!p1 $0x1082;
	[sflag:s4] =	ssyncset.s32 $0xFFFFF086  }
0x25: {  	[simem:s6], [sflag:s4] =	dma.local [hbm:s3], $0xF7A  }
0x26: {  	[smem:$0x3F9F] =	sst s1;
	(tag) =	ssettag s2;
	_ =	strace s9  }
0x27: {  	s1 =	sld [smem:$0x3FAF]  }
0x28: {  	s2 =	sld [smem:$0x3FB0]  }
0x29: {  	s4 =	sld [smem:$0x3FB2]  }
0x2a: {  	p0 =	seq.s32 s5, $0x0;
	s5 =	sld [smem:$0x3FB3]  }
0x2b: {  	s6 =	sld [smem:$0x3FB4]  }
0x2c: {  	s7 =	sld [smem:$0x3FB5]  }
0x2d: {  	s3 =	simm.s32 $0x108;
	s8 =	sld [smem:$0x3FB6]  }
0x2e: {  	s3 =	simm.s32 @!p0 $0x1082;
	s9 =	sld [smem:$0x3FB7]  }
0x2f: {  	lr =	sadd.s32 s0, s3;
	s0 =	sld [smem:$0x3FAE]  }
0x30: {  	s3 =	sld [smem:$0x3FB1]  }
0x31: {  	[smem:$0x3FBA] =	sst s10  }
0x32: {  	s10 =	sld [smem:$0x3FB8];
	_ =	sdelay $0x3  }
0x33: {  	p0 =	seq.s32 s10, $0x1;
	s10 =	sld [smem:$0x3FBA];
	_ =	sdelay $0x3  }
0x34: {  	[smem:$0x3FBA] =	sst s10  }
0x35: {  	s10 =	sld [smem:$0x3FB9];
	_ =	sdelay $0x3  }
0x36: {  	p1 =	seq.s32 s10, $0x1;
	s10 =	sld [smem:$0x3FBA];
	_ =	sdelay $0x3  }
0x37: {  	[smem:$0x3FBA] =	sst s10  }
0x38: {  	s10 =	sld [smem:$0x3FBB]  }
0x39: {  	_ = 	snop;
	(pc) =	sbr.ind lr, $3  }
0x3a: {  	_ = 	snop  }
0x3b: {  	_ = 	snop  }
0x3c: {  	p2 =	seq.s32 s10, $0x1;
	s10 =	sld [smem:$0x3FBA]  }
0x3d: {  	_ =	shalt  }
0x3e: {  	_ =	shalt  }
0x3f: {  	_ =	shalt  }
0x40: {  	_ =	shalt  }
0x41: {  	_ =	shalt  }
0x42: {  	_ =	shalt  }
0x43: {  	_ =	shalt  }
0x44: {  	_ =	shalt  }
0x45: {  	_ =	shalt  }
0x46: {  	_ =	shalt  }
0x47: {  	_ =	shalt  }
0x48: {  	_ =	shalt  }
0x49: {  	_ =	shalt  }
0x4a: {  	_ =	shalt  }
0x4b: {  	_ =	shalt  }
0x4c: {  	_ =	shalt  }
0x4d: {  	_ =	shalt  }
0x4e: {  	_ =	shalt  }
0x4f: {  	_ =	shalt  }
0x50: {  	_ =	shalt  }
0x51: {  	_ =	shalt  }
0x52: {  	_ =	shalt  }
0x53: {  	_ =	shalt  }
0x54: {  	_ =	shalt  }
0x55: {  	_ =	shalt  }
0x56: {  	_ =	shalt  }
0x57: {  	_ =	shalt  }
0x58: {  	_ =	shalt  }
0x59: {  	_ =	shalt  }
0x5a: {  	_ =	shalt  }
0x5b: {  	_ =	shalt  }
0x5c: {  	_ =	shalt  }
0x5d: {  	_ =	shalt  }
0x5e: {  	_ =	shalt  }
0x5f: {  	_ =	shalt  }
0x60: {  	_ =	shalt  }
0x61: {  	_ =	shalt  }
0x62: {  	_ =	shalt  }
0x63: {  	_ =	shalt  }
0x64: {  	_ =	shalt  }
0x65: {  	_ =	shalt  }
0x66: {  	_ =	shalt  }
0x67: {  	_ =	shalt  }
0x68: {  	_ =	shalt  }
0x69: {  	_ =	shalt  }
0x6a: {  	_ =	shalt  }
0x6b: {  	_ =	shalt  }
0x6c: {  	_ =	shalt  }
0x6d: {  	_ =	shalt  }
0x6e: {  	_ =	shalt  }
0x6f: {  	_ =	shalt  }
0x70: {  	_ =	shalt  }
0x71: {  	_ =	shalt  }
0x72: {  	_ =	shalt  }
0x73: {  	_ =	shalt  }
0x74: {  	_ =	shalt  }
0x75: {  	_ =	shalt  }
0x76: {  	_ =	shalt  }
0x77: {  	_ =	shalt  }
0x78: {  	_ =	shalt  }
0x79: {  	_ =	shalt  }
0x7a: {  	_ =	shalt  }
0x7b: {  	_ =	shalt  }
0x7c: {  	_ =	shalt  }
0x7d: {  	_ =	shalt  }
0x7e: {  	_ =	shalt  }
0x7f: {  	_ =	shalt  }
0x80: {  	_ =	shalt  }
0x81: {  	_ =	shalt  }
0x82: {  	_ =	shalt  }
0x83: {  	_ =	shalt  }
0x84: {  	_ =	shalt  }
0x85: {  	_ =	shalt  }
0x86: {  	_ =	shalt  }
0x87: {  	_ =	shalt  }
.Lfunc_end0:
.L_simem_size_0:
called_computation.1_lowered:
.L_overlay_start_0:
0x88: {  	s2 =	sld [smem:$0x3FD9]  }
0x89: {  	s3 =	sld [smem:$0x3FFE];
	_ =	sdelay $0x1  }
0x8a: {  	s1 =	srdreg.scid  }
0x8b: {  	s0 =	sand.u32 $0x1, s1  }
0x8c: {  	s17 =	sshll.u32 s0, $0xA;
	s2 =	sadd.s32 s3, s2  }
0x8d: {  	s2 =	sadd.s32 s2, s17  }
0x8e: {  	[smem:$0x3FC6] =	sst s2  }
0x8f: {  	_ = 	snop  }
0x90: {  	s2 =	sld [smem:$0x3FC8]  }
0x91: {  	s18 =	sld [smem:$0x3FD0];
	(tm) =	ssettm $0x1  }
0x92: {  	s4 =	sld [smem:$0x3FFB];
	_ =	sdelay $0x3  }
0x93: {  	_ =	strace s4  }
0x94: {  	s4 =	sld [smem:$0x3FFC];
	_ =	sdelay $0x3  }
0x95: {  	_ =	strace s4  }
0x96: {  	s4 =	sld [smem:$0x3FFD];
	_ =	sdelay $0x3  }
0x97: {  	_ =	strace s4  }
0x98: {  	_ =	strace $0x8FFFFFFF  }
0x99: {  	s19 =	sld [smem:$0x3FDB];
	_ =	sdelay $0x1  }
0x9a: {  	s5 =	simm.s32 $_scs_section_size  }
0x9b: {  	s6 =	simm.s32 $_size__tile_overlayer_lowered;
	s7 =	simm.s32 $_tile_overlayer_lowered  }
0x9c: {  	s22 =	simm.s32 $0x1BFF;
	s21 =	sshll.u32 s7, $0x1;
	s4 =	sadd.s32 s5, s19  }
0x9d: {  	s8 =	simm.s32 $0x0;
	s20 =	sshll.u32 s6, $0x1;
	s6 =	sadd.s32 s21, s4  }
0x9e: {  	[timem:s8], [sflag:s22] =	dma.local [hbm:s6], s20  }
0x9f: {  	_ =	swait.ge [sflag:s22], s20  }
0xa0: {  	s5 =	ssub.s32 $0x0, s20;
	[sflag:s22] =	ssyncset.done $0x0  }
0xa1: {  	[sflag:s22] =	ssyncadd.s32 s5;
	_ =	sdelay $0x1  }
0xa2: {  	s23 =	simm.s32 $0x1B8B  }
0xa3: {  	_ =	swait.ge [sflag:s23], $0x1  }
0xa4: {  	[sflag:s23] =	ssyncset.done $0x0  }
0xa5: {  	s25 =	simm.s32 $0x1B8E;
	s24 =	sld [smem:$0x3FFE];
	[sflag:s23] =	ssyncadd.s32 $0xFFFFFFFF  }
0xa6: {  	s26 =	simm.s32 $execute0_lowered;
	[smem:$0x3FD2] =	sst s25  }
0xa7: {  	s6 =	sshll.u32 s26, $0x1;
	_ =	strace $0x80000046;
	[dreg:$0x1] =	wrdreg $0xFFFFFFFF  }
0xa8: {  	s28 =	simm.s32 $_size_execute0_lowered;
	s4 =	sadd.s32 s4, s6;
	[dreg:$0x0] =	wrdreg $0x0  }
0xa9: {  	s6 =	sshll.u32 s28, $0x1;
	[dreg:$0x2] =	wrdreg s4  }
0xaa: {  	[dreg:$0x3] =	wrdreg s6  }
0xab: {  	[dreg:$0x4] =	wrdreg $0xC0  }
0xac: {  	_ =	task [dreg:s8], $0x5FFFF  }
0xad: {  	[dreg:$0x1] =	wrdreg $0xFFFFFFFF  }
0xae: {  	[dreg:$0x0] =	wrdreg $0x60  }
0xaf: {  	[dreg:$0x2] =	wrdreg s18  }
0xb0: {  	[dreg:$0x3] =	wrdreg s2  }
0xb1: {  	[dreg:$0x4] =	wrdreg s24  }
0xb2: {  	[dreg:$0x5] =	wrdreg $0x9  }
0xb3: {  	_ =	task.clear_ibuf [dreg:s8], $0x6FFFF;
	_ =	strace $0x90000046  }
0xb4: {  	s29 =	simm.s32 $0x9;
	_ =	strace $0x80000048  }
0xb5: {  	_ =	swait.ge [sflag:s29], $0x1  }
0xb6: {  	[sflag:s29] =	ssyncadd.s32 $0xFFFFFFFF  }
0xb7: {  	_ =	strace $0x90000048  }
0xb8: {  	_ =	sfence  }
0xb9: {  	s30 =	sld [smem:$0x0];
	_ =	sdelay $0x2  }
0xba: {  	s31 =	sshll.u32 s1, $0xD;
	s1 =	sshrl.u32 s1, $0x2  }
0xbb: {  	s3 =	sand.u32 $0x4000, s31;
	s1 =	sadd.s32 s1, s30  }
0xbc: {  	s0 =	sor.u32 s3, s0;
	s1 =	sshll.u32 s1, $0x11  }
0xbd: {  	s0 =	sor.u32 s1, s0  }
0xbe: {  	s0 =	sadd.s32 $0x8F2B, s0  }
0xbf: {  	[sflag:s0] =	ssyncadd.remote.s32 $0x1  }
0xc0: {  	_ =	sfence.sel $0xFFFF  }
0xc1: {  	[dreg:$0x0] =	wrdreg $0xFFFFFFFF;
	(pc) =	sbr.abs _section_cstart, $3  }
0xc2: {  	[dreg:$0x1] =	wrdreg $0xFFFFFFFF  }
0xc3: {  	_ =	task.clear_ibuf [dreg:s8], $0x2FFFF;
	_ =	strace $0x9FFFFFFF  }
0xc4: {  	(tm) =	ssettm $0x7FFFFFFF  }
0xc5: {  	_ =	shalt  }
tec
execute0_lowered:
.L_overlay_start_1:
0x0: {  	(tag) =	ssettag $0x1  }
0x1: {  	s0 =	srdreg.scid;
	s3 =	stileid.u32  }
0x2: {  	s0 =	sand.u32 $0x1, s0;
	s3 =	sshll.u32 s3, $0x1  }
0x3: {  	s3 =	sor.u32 s0, s3  }
0x4: {  	s1 =	rddreg [dreg:$0x0];
	s7 =	smul.u32 $0x32000, s3  }
0x5: {  	s2 =	rddreg [dreg:$0x2];
	s4 =	simm.s32 $0x0;
	s16 =	smul.u32 $0x3200, s3  }
0x6: {  	[smem:$0x7FF] =	sst s4  }
0x7: {  	_ =	strace $0x80000047;
	s17 =	sadd.s32 s1, s7;
	[dreg:$0x4] =	wrdreg s16  }
0x8: {  	s28 =	simm.s32 $0xA080;
	s20 =	sor.u32 $0x190, s16;
	[dreg:$0x5] =	wrdreg s17  }
0x9: {  	s29 =	simm.s32 $0x1;
	s21 =	sor.u32 $0x50, s16;
	[dreg:$0xa] =	wrdreg s20  }
0xa: {  	s31 =	simm.s32 $0x2;
	s22 =	sor.u32 $0x1E0, s16;
	[dreg:$0xb] =	wrdreg s21  }
0xb: {  	s8 =	simm.s32 $0x4;
	s23 =	sor.u32 $0xA0, s16;
	[dreg:$0xc] =	wrdreg s22  }
0xc: {  	s10 =	simm.s32 $0x5;
	s24 =	sadd.s32 $0x230, s16;
	[dreg:$0xd] =	wrdreg s23  }
0xd: {  	s5 =	sadd.s32 $0x800, s2;
	s25 =	sor.u32 $0xF0, s16;
	[dreg:$0xe] =	wrdreg s24  }
0xe: {  	s0 =	ssub.s32 $0x2, s0;
	s26 =	sadd.s32 $0x280, s16;
	[dreg:$0xf] =	wrdreg s25  }
0xf: {  	s15 =	sshrl.u32 s0, $0x1;
	s30 =	sor.u32 $0x140, s16;
	[dreg:$0x10] =	wrdreg s26  }
0x10: {  	s0 =	ssub.s32 s0, s15;
	s2 =	sadd.s32 $0x2D0, s16;
	[dreg:$0x11] =	wrdreg s30  }
0x11: {  	s0 =	smax.u32 s0, $0x1;
	s6 =	sadd.s32 $0x500, s17;
	[dreg:$0x12] =	wrdreg s2  }
.Ltmp0:
0x12: {  	s18 =	sadd.s32 $0xA00, s17;
	[dreg:$0x13] =	wrdreg s0;
	(pc) =	sbr.rel .LBB2_1-.Ltmp0, $4  }
0x13: {  	s19 =	sadd.s32 $0xF00, s17;
	s3 =	sadd.s32 $0x1400, s17;
	[dreg:$0x6] =	wrdreg s6  }
0x14: {  	s23 =	simm.s32 $0x80;
	s24 =	simm.s32 $0x2880;
	[dreg:$0x7] =	wrdreg s18  }
0x15: {  	s25 =	simm.s32 $0x5080;
	s26 =	simm.s32 $0x7880;
	[dreg:$0x8] =	wrdreg s19  }
0x16: {  	s0 =	simm.s32 $0x3;
	[dreg:$0x9] =	wrdreg s3;
	s6 =	simm.s32 $0x0  }
.LBB2_14:
0x17: {  	s2 =	simm.s32 $0x6  }
0x18: {  	_ =	swait.ge [sflag:s2], $0x2800  }
0x19: {  	[sflag:s2] =	ssyncset.done $0x0  }
0x1a: {  	s20 =	simm.s32 $0x7;
	[sflag:s2] =	ssyncadd.s32 $0xFFFFD800  }
0x1b: {  	_ =	swait.ge [sflag:s20], $0x2800  }
0x1c: {  	[sflag:s20] =	ssyncset.done $0x0  }
0x1d: {  	s21 =	simm.s32 $0x8;
	[sflag:s20] =	ssyncadd.s32 $0xFFFFD800  }
0x1e: {  	_ =	swait.ge [sflag:s21], $0x2800  }
0x1f: {  	[sflag:s21] =	ssyncset.done $0x0  }
0x20: {  	s22 =	simm.s32 $0x9;
	[sflag:s21] =	ssyncadd.s32 $0xFFFFD800  }
0x21: {  	_ =	swait.ge [sflag:s22], $0x2800  }
0x22: {  	[sflag:s22] =	ssyncset.done $0x0  }
0x23: {  	s3 =	simm.s32 $0xA;
	[sflag:s22] =	ssyncadd.s32 $0xFFFFD800  }
0x24: {  	_ =	swait.ge [sflag:s3], $0x2800  }
0x25: {  	s6 =	rddreg [dreg:$0x14]  }
0x26: {  	s30 =	rddreg [dreg:$0x13];
	s6 =	sadd.s32 $0x1, s6  }
0x27: {  	p0 =	sne.s32 s6, s30  }
.Ltmp1:
0x28: {  	_ = 	snop;
	(pc) =	sbr.rel @!p0 .LBB2_15-.Ltmp1, $3  }
0x29: {  	_ =	sdelay $0x1  }
0x2a: {  	[sflag:s3] =	ssyncset.done $0x0  }
0x2b: {  	[sflag:s3] =	ssyncadd.s32 $0xFFFFD800  }
.LBB2_1:
0x2c: {  	[dreg:$0x14] =	wrdreg s6  }
0x2d: {  	s2 =	rddreg [dreg:$0x1];
	s18 =	simm.s32 $0xB  }
0x2e: {  	[tilespmem:s4], [sflag:$0xB] =	stream.linear.gather [hbm4b:s2+s4], $0x80, $0x38;
	[tilespmem:$0x19080] =	vst v63  }
0x2f: {  	_ =	swait.ge [sflag:s18], $0x80  }
0x30: {  	[sflag:s18] =	ssyncset.done $0x0  }
0x31: {  	[sflag:s18] =	ssyncadd.s32 $0xFFFFFF80  }
0x32: {  	v0 =	vld [tilespmem:$0x0]  }
0x33: {  	v1 =	vld [tilespmem:$0x10]  }
0x34: {  	v2 =	vld [tilespmem:$0x20]  }
0x35: {  	v3 =	vld [tilespmem:$0x30]  }
0x36: {  	v4 =	vld [tilespmem:$0x40]  }
0x37: {  	v5 =	vld [tilespmem:$0x50]  }
0x38: {  	s19 =	rddreg [dreg:$0x5];
	v6 =	vld [tilespmem:$0x60]  }
0x39: {  	v7 =	vld [tilespmem:$0x70];
	[tilespmem:s23], [sflag:$0x1] =	stream.linear.gather [hbm4b:s19+s4], $0x2800, $0x38  }
0x3a: {  	s20 =	rddreg [dreg:$0x6]  }
0x3b: {  	[tilespmem:s24], [sflag:$0x2] =	stream.linear.gather [hbm4b:s20+s4], $0x2800, $0x38;
	[tilespmem:$0x19080] =	vst v63  }
0x3c: {  	s21 =	rddreg [dreg:$0x7]  }
0x3d: {  	[tilespmem:s25], [sflag:$0x3] =	stream.linear.gather [hbm4b:s21+s4], $0x2800, $0x38;
	[tilespmem:$0x19080] =	vst v63  }
0x3e: {  	s22 =	rddreg [dreg:$0x8]  }
0x3f: {  	[tilespmem:s26], [sflag:$0x4] =	stream.linear.gather [hbm4b:s22+s4], $0x2800, $0x38;
	[tilespmem:$0x19080] =	vst v63  }
0x40: {  	s30 =	rddreg [dreg:$0x9];
	s21 =	simm.s32 $0x0  }
0x41: {  	[tilespmem:s28], [sflag:$0x5] =	stream.linear.gather [hbm4b:s30+s4], $0x2800, $0x38;
	[tilespmem:$0x19080] =	vst v63  }
.LBB2_2:
0x42: {  	_ =	swait.ge [sflag:s29], $0x2800;
	s13 =	simm.s32 $0x80  }
0x43: {  	p0 =	seq.s32 s21, $0x0;
	[sflag:s29] =	ssyncset.done $0x0;
	v8 =	vadd.s32 s13, v0  }
0x44: {  	s30 =	simm.s32 $0x0;
	s3 =	simm.s32 @!p0 $0x6;
	[sflag:s29] =	ssyncadd.s32 $0xFFFFD800  }
0x45: {  	v9 =	vadd.s32 s30, v0;
	_ =	swait.ge @!p0 [sflag:s3], $0x2800  }
0x46: {  	s2 =	simm.s32 $0x180;
	[sflag:s3] =	ssyncset.done @!p0 $0x0  }
0x47: {  	v10 =	vadd.s32 s2, v0;
	[sflag:s3] =	ssyncadd.s32 @!p0 $0xFFFFD800;
	s3 =	simm.s32 $0x100  }
0x48: {  	v11 =	vadd.s32 s3, v0;
	v8 =	vld.idx.msk [tilespmem:v8+s23+$0x0], $0xffff  }
0x49: {  	v12 =	vadd.s32 s13, v1  }
0x4a: {  	v9 =	vld.idx.msk [tilespmem:v9+s23+$0x0], $0xffff;
	_ =	sdelay $0x1  }
0x4b: {  	s22 =	simm.s32 $0xC980;
	v13 =	vadd.s32 s30, v1;
	v10 =	vld.idx.msk [tilespmem:v10+s23+$0x0], $0xffff  }
0x4c: {  	v14 =	vadd.s32 s2, v1;
	v11 =	vld.idx.msk [tilespmem:v11+s23+$0x0], $0xffff;
	[tilespmem:s22+$0xFFFFFF80] =	vst v8  }
0x4d: {  	v8 =	vadd.s32 s3, v1;
	v12 =	vld.idx.msk [tilespmem:v12+s23+$0x0], $0xffff  }
0x4e: {  	[tilespmem:s22+$0xFFFFFF00] =	vst v9;
	v9 =	vadd.s32 s13, v2;
	_ =	sdelay $0x1  }
0x4f: {  	[tilespmem:s22+$0x80] =	vst v10;
	v13 =	vld.idx.msk [tilespmem:v13+s23+$0x0], $0xffff  }
0x50: {  	v15 =	vadd.s32 s30, v2;
	v10 =	vld.idx.msk [tilespmem:v14+s23+$0x0], $0xffff;
	[tilespmem:s22+$0x0] =	vst v11  }
0x51: {  	v11 =	vadd.s32 s2, v2;
	v8 =	vld.idx.msk [tilespmem:v8+s23+$0x0], $0xffff;
	[tilespmem:s22+$0xFFFFFF90] =	vst v12  }
0x52: {  	s11 =	simm.s32 $0x280;
	v12 =	vadd.s32 s3, v2;
	v9 =	vld.idx.msk [tilespmem:v9+s23+$0x0], $0xffff  }
0x53: {  	v16 =	vadd.s32 s11, v0  }
0x54: {  	s20 =	simm.s32 $0x300;
	[tilespmem:s22+$0xFFFFFF10] =	vst v13;
	v13 =	vadd.s32 s13, v3  }
0x55: {  	s9 =	simm.s32 $0x200;
	v17 =	vadd.s32 s20, v0;
	[tilespmem:s22+$0x90] =	vst v10;
	v14 =	vld.idx.msk [tilespmem:v15+s23+$0x0], $0xffff  }
0x56: {  	v10 =	vld.idx.msk [tilespmem:v11+s23+$0x0], $0xffff;
	[tilespmem:s22+$0x10] =	vst v8;
	v8 =	vadd.s32 s9, v0  }
0x57: {  	v11 =	vld.idx.msk [tilespmem:v12+s23+$0x0], $0xffff;
	[tilespmem:s22+$0xFFFFFFA0] =	vst v9;
	v9 =	vadd.s32 s2, v3  }
0x58: {  	v16 =	vld.idx.msk [tilespmem:v16+s23+$0x0], $0xffff;
	v12 =	vadd.s32 s3, v3  }
0x59: {  	v15 =	vadd.s32 s30, v3;
	v13 =	vld.idx.msk [tilespmem:v13+s23+$0x0], $0xffff  }
0x5a: {  	s12 =	simm.s32 $0x380;
	v17 =	vld.idx.msk [tilespmem:v17+s23+$0x0], $0xffff;
	[tilespmem:s22+$0xFFFFFF20] =	vst v14;
	v14 =	vadd.s32 s13, v4  }
0x5b: {  	v18 =	vadd.s32 s12, v0;
	[tilespmem:s22+$0xA0] =	vst v10;
	v8 =	vld.idx.msk [tilespmem:v8+s23+$0x0], $0xffff  }
0x5c: {  	[tilespmem:s22+$0x20] =	vst v11;
	v9 =	vld.idx.msk [tilespmem:v9+s23+$0x0], $0xffff  }
0x5d: {  	v11 =	vld.idx.msk [tilespmem:v12+s23+$0x0], $0xffff;
	v12 =	vadd.s32 s2, v4  }
0x5e: {  	s15 =	simm.s32 $0xCB80;
	v15 =	vld.idx.msk [tilespmem:v15+s23+$0x0], $0xffff;
	v10 =	vadd.s32 s9, v1;
	[tilespmem:s22+$0xFFFFFFB0] =	vst v13  }
0x5f: {  	[tilespmem:s15+$0xFFFFFF80] =	vst v16;
	v13 =	vld.idx.msk [tilespmem:v14+s23+$0x0], $0xffff;
	v14 =	vadd.s32 s30, v4  }
0x60: {  	v19 =	vadd.s32 s11, v1;
	v16 =	vld.idx.msk [tilespmem:v18+s23+$0x0], $0xffff;
	[tilespmem:s15+$0xFFFFFF00] =	vst v8  }
0x61: {  	v8 =	vadd.s32 s20, v1;
	[tilespmem:s22+$0xB0] =	vst v9  }
0x62: {  	v9 =	vld.idx.msk [tilespmem:v12+s23+$0x0], $0xffff;
	v12 =	vadd.s32 s13, v5  }
0x63: {  	[tilespmem:s22+$0xFFFFFF30] =	vst v15;
	v15 =	vadd.s32 s3, v4;
	v10 =	vld.idx.msk [tilespmem:v10+s23+$0x0], $0xffff  }
0x64: {  	v18 =	vadd.s32 s9, v2;
	[tilespmem:s15+$0x0] =	vst v17;
	v14 =	vld.idx.msk [tilespmem:v14+s23+$0x0], $0xffff  }
0x65: {  	v17 =	vld.idx.msk [tilespmem:v19+s23+$0x0], $0xffff;
	v19 =	vadd.s32 s30, v5;
	[tilespmem:s15+$0x80] =	vst v16  }
0x66: {  	v20 =	vadd.s32 s12, v1;
	[tilespmem:s22+$0xFFFFFFC0] =	vst v13;
	v21 =	vld.idx.msk [tilespmem:v8+s23+$0x0], $0xffff  }
0x67: {  	v22 =	vadd.s32 s11, v2;
	[tilespmem:s22+$0x30] =	vst v11;
	v23 =	vld.idx.msk [tilespmem:v12+s23+$0x0], $0xffff  }
0x68: {  	v24 =	vadd.s32 s20, v2;
	v25 =	vld.idx.msk [tilespmem:v15+s23+$0x0], $0xffff;
	[tilespmem:s15+$0xFFFFFF10] =	vst v10  }
0x69: {  	v13 =	vld.idx.msk [tilespmem:v18+s23+$0x0], $0xffff;
	v18 =	vadd.s32 s13, v6;
	[tilespmem:s22+$0xFFFFFF40] =	vst v14  }
0x6a: {  	[tilespmem:s15+$0xFFFFFF90] =	vst v17;
	v11 =	vld.idx.msk [tilespmem:v19+s23+$0x0], $0xffff;
	v19 =	vadd.s32 s3, v5  }
0x6b: {  	v16 =	vadd.s32 s9, v3;
	v17 =	vld.idx.msk [tilespmem:v20+s23+$0x0], $0xffff;
	[tilespmem:s15+$0x10] =	vst v21  }
0x6c: {  	s7 =	smul.u32 $0x190, s21;
	v12 =	vadd.s32 s2, v5;
	v14 =	vld.idx.msk [tilespmem:v22+s23+$0x0], $0xffff;
	[tilespmem:s22+$0xFFFFFFD0] =	vst v23  }
0x6d: {  	v20 =	vadd.s32 s11, v3;
	v21 =	vadd.s32 s12, v2;
	v15 =	vld.idx.msk [tilespmem:v24+s23+$0x0], $0xffff;
	s6 =	rddreg [dreg:$0x4]  }
0x6e: {  	s16 =	simm.s32 $0x8;
	s14 =	simm.s32 $0xCB80;
	v8 =	vadd.s32 s20, v3;
	v10 =	vadd.s32 s13, v7;
	v18 =	vld.idx.msk [tilespmem:v18+s23+$0x0], $0xffff;
	[tilespmem:s22+$0x40] =	vst v25;
	s13 =	sadd.s32 s6, s7  }
.LBB2_3:
0x6f: {  	s19 =	sshll.u32 s16, $0x7;
	p1 =	slt.u32 s16, $0x4C;
	s16 =	sadd.s32 $0x4, s16;
	[tilespmem:s15+$0xFFFFFF20] =	vst v13;
	v13 =	vld.idx.msk [tilespmem:v19+s23+$0x0], $0xffff  }
0x70: {  	v22 =	vadd.s32 s3, v6;
	v19 =	vadd.s32 s19, v0;
	s17 =	sadd.s32 $0x80, s19;
	s18 =	sadd.s32 $0x180, s19;
	v16 =	vld.idx.msk [tilespmem:v16+s23+$0x0], $0xffff;
	[tilespmem:s22+$0xC0] =	vst v9  }
0x71: {  	s6 =	sadd.s32 $0x100, s19;
	v9 =	vadd.s32 s17, v0;
	v23 =	vadd.s32 s18, v0;
	[tilespmem:s15+$0x90] =	vst v17;
	v12 =	vld.idx.msk [tilespmem:v12+s23+$0x0], $0xffff  }
0x72: {  	v17 =	vadd.s32 s6, v0;
	v24 =	vadd.s32 s6, v3;
	[tilespmem:s15+$0xFFFFFFA0] =	vst v14;
	v14 =	vld.idx.msk [tilespmem:v21+s23+$0x0], $0xffff;
	v21 =	vadd.s32 s30, v6  }
0x73: {  	v20 =	vld.idx.msk [tilespmem:v20+s23+$0x0], $0xffff;
	[tilespmem:s15+$0x20] =	vst v15  }
0x74: {  	v25 =	vadd.s32 s12, v3;
	v15 =	vld.idx.msk [tilespmem:v8+s23+$0x0], $0xffff;
	[tilespmem:s22+$0xFFFFFFE0] =	vst v18;
	v8 =	vmov v24  }
0x75: {  	v18 =	vadd.s32 s11, v4;
	v10 =	vld.idx.msk [tilespmem:v10+s23+$0x0], $0xffff;
	[tilespmem:s22+$0x50] =	vst v13  }
0x76: {  	[tilespmem:s22+$0xFFFFFF50] =	vst v11;
	v11 =	vld.idx.msk [tilespmem:v22+s23+$0x0], $0xffff  }
0x77: {  	v13 =	vld.idx.msk [tilespmem:v19+s23+$0x0], $0xffff;
	v19 =	vadd.s32 s19, v1;
	[tilespmem:s15+$0xFFFFFF30] =	vst v16;
	v16 =	vadd.s32 s2, v6  }
0x78: {  	v22 =	vadd.s32 s17, v1;
	[tilespmem:s15+$0xA0] =	vst v14;
	v14 =	vld.idx.msk [tilespmem:v21+s23+$0x0], $0xffff  }
0x79: {  	v21 =	vadd.s32 s6, v1;
	[tilespmem:s15+$0xFFFFFFB0] =	vst v20;
	v20 =	vld.idx.msk [tilespmem:v25+s23+$0x0], $0xffff  }
0x7a: {  	v24 =	vadd.s32 s18, v1;
	s15 =	sadd.s32 $0x200, s15;
	v25 =	vadd.s32 s3, v7;
	s3 =	smov.u32 s20;
	s20 =	smov.u32 s6;
	v18 =	vld.idx.msk [tilespmem:v18+s23+$0x0], $0xffff;
	[tilespmem:s22+$0xD0] =	vst v12  }
0x7b: {  	v12 =	vld.idx.msk [tilespmem:v9+s23+$0x0], $0xffff;
	v9 =	vadd.s32 s12, v4;
	[tilespmem:s22+$0xFFFFFFF0] =	vst v10  }
0x7c: {  	v10 =	vld.idx.msk [tilespmem:v17+s23+$0x0], $0xffff;
	v17 =	vadd.s32 s30, v7;
	[tilespmem:s22+$0x60] =	vst v11;
	s30 =	smov.u32 s9;
	s9 =	smov.u32 s19  }
0x7d: {  	[tilespmem:s15+$0xFFFFFF00] =	vst v13;
	v11 =	vadd.s32 s30, v4;
	v13 =	vld.idx.msk [tilespmem:v16+s23+$0x0], $0xffff  }
0x7e: {  	v16 =	vld.idx.msk [tilespmem:v19+s23+$0x0], $0xffff;
	[tilespmem:s22+$0xFFFFFF60] =	vst v14;
	v14 =	vadd.s32 s2, v7;
	s2 =	smov.u32 s12;
	s12 =	smov.u32 s18  }
0x7f: {  	[tilespmem:s14+$0xB0] =	vst v20;
	v19 =	vld.idx.msk [tilespmem:v25+s23+$0x0], $0xffff  }
0x80: {  	[tilespmem:s14+$0xFFFFFFC0] =	vst v18;
	v9 =	vld.idx.msk [tilespmem:v9+s23+$0x0], $0xffff  }
0x81: {  	[tilespmem:s15+$0xFFFFFF80] =	vst v12;
	v12 =	vld.idx.msk [tilespmem:v17+s23+$0x0], $0xffff  }
0x82: {  	v17 =	vadd.s32 s11, v5;
	[tilespmem:s15+$0x0] =	vst v10;
	v11 =	vld.idx.msk [tilespmem:v11+s23+$0x0], $0xffff  }
0x83: {  	v20 =	vadd.s32 s3, v4;
	v18 =	vld.idx.msk [tilespmem:v23+s23+$0x0], $0xffff;
	[tilespmem:s22+$0xE0] =	vst v13  }
0x84: {  	v10 =	vadd.s32 s11, v7;
	v13 =	vadd.s32 s9, v2;
	[tilespmem:s14+$0x30] =	vst v15;
	v14 =	vld.idx.msk [tilespmem:v14+s23+$0x0], $0xffff  }
0x85: {  	v15 =	vld.idx.msk [tilespmem:v22+s23+$0x0], $0xffff;
	v22 =	vadd.s32 s30, v5;
	[tilespmem:s22+$0x70] =	vst v19  }
0x86: {  	[tilespmem:s15+$0xFFFFFF10] =	vst v16;
	v21 =	vld.idx.msk [tilespmem:v21+s23+$0x0], $0xffff  }
0x87: {  	v23 =	vadd.s32 s17, v2;
	v25 =	vld.idx.msk [tilespmem:v17+s23+$0x0], $0xffff;
	[tilespmem:s22+$0xFFFFFF70] =	vst v12  }
0x88: {  	v26 =	vadd.s32 s20, v2;
	[tilespmem:s14+$0xFFFFFF40] =	vst v11;
	v27 =	vld.idx.msk [tilespmem:v20+s23+$0x0], $0xffff  }
0x89: {  	v13 =	vld.idx.msk [tilespmem:v13+s23+$0x0], $0xffff;
	[tilespmem:s15+$0x80] =	vst v18;
	v18 =	vadd.s32 s11, v6;
	s11 =	smov.u32 s17  }
.Ltmp2:
0x8a: {  	v19 =	vadd.s32 s3, v5;
	v11 =	vld.idx.msk [tilespmem:v22+s23+$0x0], $0xffff;
	[tilespmem:s22+$0xF0] =	vst v14;
	s22 =	smov.u32 s14;
	s14 =	smov.u32 s15;
	(pc) =	sbr.rel @p1 .LBB2_3-.Ltmp2, $4  }
0x8b: {  	v16 =	vadd.s32 s9, v3;
	[tilespmem:s15+$0xFFFFFF90] =	vst v15;
	v17 =	vld.idx.msk [tilespmem:v24+s23+$0x0], $0xffff  }
0x8c: {  	v12 =	vadd.s32 s2, v5;
	v14 =	vld.idx.msk [tilespmem:v23+s23+$0x0], $0xffff;
	[tilespmem:s15+$0x10] =	vst v21  }
0x8d: {  	v21 =	vadd.s32 s12, v2;
	v15 =	vld.idx.msk [tilespmem:v26+s23+$0x0], $0xffff;
	[tilespmem:s22+$0xFFFFFFD0] =	vst v25  }
0x8e: {  	v20 =	vadd.s32 s11, v3;
	v18 =	vld.idx.msk [tilespmem:v18+s23+$0x0], $0xffff;
	[tilespmem:s22+$0x40] =	vst v27  }
0x8f: {  	_ =	sdelay $0x2  }
0x90: {  	[tilespmem:s15+$0x90] =	vst v17  }
0x91: {  	[tilespmem:s15+$0xFFFFFF20] =	vst v13;
	v13 =	vld.idx.msk [tilespmem:v21+s23+$0x0], $0xffff  }
0x92: {  	[tilespmem:s22+$0xC0] =	vst v9;
	v9 =	vadd.s32 s12, v3;
	v17 =	vld.idx.msk [tilespmem:v19+s23+$0x0], $0xffff  }
0x93: {  	[tilespmem:s15+$0xFFFFFFA0] =	vst v14  }
0x94: {  	v14 =	vld.idx.msk [tilespmem:v20+s23+$0x0], $0xffff;
	[tilespmem:s15+$0x20] =	vst v15  }
0x95: {  	[tilespmem:s22+$0xFFFFFF50] =	vst v11;
	v15 =	vadd.s32 s11, v4;
	v8 =	vld.idx.msk [tilespmem:v8+s23+$0x0], $0xffff  }
0x96: {  	v16 =	vld.idx.msk [tilespmem:v16+s23+$0x0], $0xffff;
	[tilespmem:s15+$0xA0] =	vst v13;
	v13 =	vadd.s32 s20, v4  }
0x97: {  	[tilespmem:s22+$0x50] =	vst v17;
	v17 =	vadd.s32 s9, v4;
	v9 =	vld.idx.msk [tilespmem:v9+s23+$0x0], $0xffff  }
0x98: {  	v11 =	vadd.s32 s12, v4;
	v12 =	vld.idx.msk [tilespmem:v12+s23+$0x0], $0xffff;
	[tilespmem:s22+$0xFFFFFFE0] =	vst v18  }
0x99: {  	v18 =	vadd.s32 s3, v6;
	v10 =	vld.idx.msk [tilespmem:v10+s23+$0x0], $0xffff;
	[tilespmem:s15+$0xFFFFFFB0] =	vst v14  }
0x9a: {  	v14 =	vadd.s32 s30, v6;
	v15 =	vld.idx.msk [tilespmem:v15+s23+$0x0], $0xffff;
	[tilespmem:s14+$0x30] =	vst v8  }
0x9b: {  	[tilespmem:s15+$0xFFFFFF30] =	vst v16;
	v8 =	vadd.s32 s11, v5;
	v13 =	vld.idx.msk [tilespmem:v13+s23+$0x0], $0xffff  }
0x9c: {  	v16 =	vadd.s32 s20, v5;
	[tilespmem:s14+$0xB0] =	vst v9;
	v9 =	vld.idx.msk [tilespmem:v17+s23+$0x0], $0xffff  }
0x9d: {  	[tilespmem:s22+$0xD0] =	vst v12;
	v12 =	vadd.s32 s9, v5;
	v11 =	vld.idx.msk [tilespmem:v11+s23+$0x0], $0xffff  }
0x9e: {  	[tilespmem:s22+$0xFFFFFFF0] =	vst v10;
	v10 =	vadd.s32 s12, v5;
	v17 =	vld.idx.msk [tilespmem:v18+s23+$0x0], $0xffff  }
0x9f: {  	v18 =	vadd.s32 s2, v6;
	v14 =	vld.idx.msk [tilespmem:v14+s23+$0x0], $0xffff;
	[tilespmem:s14+$0xFFFFFFC0] =	vst v15  }
0xa0: {  	v15 =	vadd.s32 s3, v7;
	v8 =	vld.idx.msk [tilespmem:v8+s23+$0x0], $0xffff;
	[tilespmem:s14+$0x40] =	vst v13  }
0xa1: {  	[tilespmem:s14+$0xFFFFFF40] =	vst v9;
	v9 =	vadd.s32 s11, v6;
	v13 =	vld.idx.msk [tilespmem:v16+s23+$0x0], $0xffff  }
0xa2: {  	v16 =	vadd.s32 s20, v6;
	v12 =	vld.idx.msk [tilespmem:v12+s23+$0x0], $0xffff;
	[tilespmem:s14+$0xC0] =	vst v11  }
0xa3: {  	[tilespmem:s22+$0x60] =	vst v17;
	v11 =	vadd.s32 s9, v6;
	v10 =	vld.idx.msk [tilespmem:v10+s23+$0x0], $0xffff  }
0xa4: {  	v17 =	vld.idx.msk [tilespmem:v18+s23+$0x0], $0xffff;
	[tilespmem:s22+$0xFFFFFF60] =	vst v14;
	v14 =	vadd.s32 s12, v6  }
0xa5: {  	v18 =	vadd.s32 s30, v7;
	v15 =	vld.idx.msk [tilespmem:v15+s23+$0x0], $0xffff;
	[tilespmem:s14+$0xFFFFFFD0] =	vst v8  }
0xa6: {  	v8 =	vadd.s32 s2, v7;
	v9 =	vld.idx.msk [tilespmem:v9+s23+$0x0], $0xffff;
	[tilespmem:s14+$0x50] =	vst v13  }
0xa7: {  	v13 =	vadd.s32 s11, v7;
	[tilespmem:s14+$0xFFFFFF50] =	vst v12;
	v12 =	vld.idx.msk [tilespmem:v16+s23+$0x0], $0xffff  }
0xa8: {  	v16 =	vadd.s32 s20, v7;
	v11 =	vld.idx.msk [tilespmem:v11+s23+$0x0], $0xffff;
	[tilespmem:s14+$0xD0] =	vst v10  }
0xa9: {  	[tilespmem:s22+$0xE0] =	vst v17;
	v10 =	vadd.s32 s9, v7;
	v14 =	vld.idx.msk [tilespmem:v14+s23+$0x0], $0xffff  }
0xaa: {  	v17 =	vld.idx.msk [tilespmem:v18+s23+$0x0], $0xffff;
	[tilespmem:s22+$0x70] =	vst v15;
	v15 =	vadd.s32 s12, v7  }
0xab: {  	v8 =	vld.idx.msk [tilespmem:v8+s23+$0x0], $0xffff;
	[tilespmem:s14+$0xFFFFFFE0] =	vst v9  }
0xac: {  	v9 =	vld.idx.msk [tilespmem:v13+s23+$0x0], $0xffff;
	[tilespmem:s14+$0x60] =	vst v12  }
0xad: {  	[tilespmem:s14+$0xFFFFFF60] =	vst v11;
	v11 =	vld.idx.msk [tilespmem:v16+s23+$0x0], $0xffff  }
0xae: {  	v10 =	vld.idx.msk [tilespmem:v10+s23+$0x0], $0xffff;
	[tilespmem:s14+$0xE0] =	vst v14  }
0xaf: {  	[tilespmem:s22+$0xFFFFFF70] =	vst v17;
	v12 =	vld.idx.msk [tilespmem:v15+s23+$0x0], $0xffff  }
0xb0: {  	[tilespmem:s22+$0xF0] =	vst v8  }
0xb1: {  	[tilespmem:s14+$0xFFFFFFF0] =	vst v9  }
0xb2: {  	[tilespmem:s14+$0x70] =	vst v11  }
0xb3: {  	s16 =	sshll.u32 s13, $0x4;
	[tilespmem:s14+$0xFFFFFF70] =	vst v10  }
0xb4: {  	s17 =	simm.s32 $0xC880;
	s2 =	sadd.s32 s5, s16;
	[tilespmem:s14+$0xF0] =	vst v12  }
0xb5: {  	[hbm4b:s2+s4] =	stream.linear.scatter [tilespmem:s17], [sflag:$0x6], $0x2800, $0x38;
	[tilespmem:$0x19080] =	vst v63  }
0xb6: {  	p1 =	seq.s32 s21, $0x1F;
	s2 =	rddreg [dreg:$0xa]  }
0xb7: {  	s2 =	sadd.s32 @!p1 s7, s2  }
0xb8: {  	s2 =	sshll.u32 @!p1 s2, $0x4  }
0xb9: {  	s6 =	simm.s32 @!p1 $0x80;
	s3 =	simm.s32 @!p1 $0x0;
	s2 =	sadd.s32 @!p1 s1, s2  }
0xba: {  	[tilespmem:s6], [sflag:$0x1] =	stream.linear.gather @!p1 [hbm4b:s2+s3], $0x2800, $0x38;
	[tilespmem:$0x19080] =	vst v63  }
0xbb: {  	s18 =	simm.s32 $0x80;
	_ =	swait.ge [sflag:s31], $0x2800  }
0xbc: {  	v8 =	vadd.s32 s18, v0;
	[sflag:s31] =	ssyncset.done $0x0  }
0xbd: {  	s3 =	simm.s32 @!p0 $0x7;
	s2 =	simm.s32 $0x0;
	[sflag:s31] =	ssyncadd.s32 $0xFFFFD800  }
0xbe: {  	v9 =	vadd.s32 s2, v0;
	_ =	swait.ge @!p0 [sflag:s3], $0x2800  }
0xbf: {  	s30 =	simm.s32 $0x180;
	[sflag:s3] =	ssyncset.done @!p0 $0x0  }
0xc0: {  	v10 =	vadd.s32 s30, v0;
	[sflag:s3] =	ssyncadd.s32 @!p0 $0xFFFFD800;
	s3 =	simm.s32 $0x100  }
0xc1: {  	v11 =	vadd.s32 s3, v0;
	v8 =	vld.idx.msk [tilespmem:v8+s24+$0x0], $0xffff  }
0xc2: {  	v12 =	vadd.s32 s18, v1  }
0xc3: {  	v9 =	vld.idx.msk [tilespmem:v9+s24+$0x0], $0xffff;
	_ =	sdelay $0x1  }
0xc4: {  	s22 =	simm.s32 $0xF180;
	v13 =	vadd.s32 s2, v1;
	v10 =	vld.idx.msk [tilespmem:v10+s24+$0x0], $0xffff  }
0xc5: {  	v14 =	vadd.s32 s30, v1;
	v11 =	vld.idx.msk [tilespmem:v11+s24+$0x0], $0xffff;
	[tilespmem:s22+$0xFFFFFF80] =	vst v8  }
0xc6: {  	v8 =	vadd.s32 s3, v1;
	v12 =	vld.idx.msk [tilespmem:v12+s24+$0x0], $0xffff  }
0xc7: {  	[tilespmem:s22+$0xFFFFFF00] =	vst v9;
	v9 =	vadd.s32 s18, v2;
	_ =	sdelay $0x1  }
0xc8: {  	[tilespmem:s22+$0x80] =	vst v10;
	v13 =	vld.idx.msk [tilespmem:v13+s24+$0x0], $0xffff  }
0xc9: {  	v15 =	vadd.s32 s2, v2;
	v10 =	vld.idx.msk [tilespmem:v14+s24+$0x0], $0xffff;
	[tilespmem:s22+$0x0] =	vst v11  }
0xca: {  	v11 =	vadd.s32 s30, v2;
	v8 =	vld.idx.msk [tilespmem:v8+s24+$0x0], $0xffff;
	[tilespmem:s22+$0xFFFFFF90] =	vst v12  }
0xcb: {  	s11 =	simm.s32 $0x280;
	v12 =	vadd.s32 s3, v2;
	v9 =	vld.idx.msk [tilespmem:v9+s24+$0x0], $0xffff  }
0xcc: {  	v16 =	vadd.s32 s11, v0  }
0xcd: {  	s20 =	simm.s32 $0x300;
	[tilespmem:s22+$0xFFFFFF10] =	vst v13;
	v13 =	vadd.s32 s18, v3  }
0xce: {  	s9 =	simm.s32 $0x200;
	v17 =	vadd.s32 s20, v0;
	[tilespmem:s22+$0x90] =	vst v10;
	v14 =	vld.idx.msk [tilespmem:v15+s24+$0x0], $0xffff  }
0xcf: {  	v10 =	vld.idx.msk [tilespmem:v11+s24+$0x0], $0xffff;
	[tilespmem:s22+$0x10] =	vst v8;
	v8 =	vadd.s32 s9, v0  }
0xd0: {  	v11 =	vld.idx.msk [tilespmem:v12+s24+$0x0], $0xffff;
	[tilespmem:s22+$0xFFFFFFA0] =	vst v9;
	v9 =	vadd.s32 s30, v3  }
0xd1: {  	v16 =	vld.idx.msk [tilespmem:v16+s24+$0x0], $0xffff;
	v12 =	vadd.s32 s3, v3  }
0xd2: {  	v15 =	vadd.s32 s2, v3;
	v13 =	vld.idx.msk [tilespmem:v13+s24+$0x0], $0xffff  }
0xd3: {  	s12 =	simm.s32 $0x380;
	v17 =	vld.idx.msk [tilespmem:v17+s24+$0x0], $0xffff;
	[tilespmem:s22+$0xFFFFFF20] =	vst v14;
	v14 =	vadd.s32 s18, v4  }
0xd4: {  	v18 =	vadd.s32 s12, v0;
	[tilespmem:s22+$0xA0] =	vst v10;
	v8 =	vld.idx.msk [tilespmem:v8+s24+$0x0], $0xffff  }
0xd5: {  	[tilespmem:s22+$0x20] =	vst v11;
	v9 =	vld.idx.msk [tilespmem:v9+s24+$0x0], $0xffff  }
0xd6: {  	v11 =	vld.idx.msk [tilespmem:v12+s24+$0x0], $0xffff;
	v12 =	vadd.s32 s30, v4  }
0xd7: {  	s15 =	simm.s32 $0xF380;
	v15 =	vld.idx.msk [tilespmem:v15+s24+$0x0], $0xffff;
	v10 =	vadd.s32 s9, v1;
	[tilespmem:s22+$0xFFFFFFB0] =	vst v13  }
0xd8: {  	[tilespmem:s15+$0xFFFFFF80] =	vst v16;
	v13 =	vld.idx.msk [tilespmem:v14+s24+$0x0], $0xffff;
	v14 =	vadd.s32 s2, v4  }
0xd9: {  	v19 =	vadd.s32 s11, v1;
	v16 =	vld.idx.msk [tilespmem:v18+s24+$0x0], $0xffff;
	[tilespmem:s15+$0xFFFFFF00] =	vst v8  }
0xda: {  	v8 =	vadd.s32 s20, v1;
	[tilespmem:s22+$0xB0] =	vst v9  }
0xdb: {  	v9 =	vld.idx.msk [tilespmem:v12+s24+$0x0], $0xffff;
	v12 =	vadd.s32 s18, v5  }
0xdc: {  	[tilespmem:s22+$0xFFFFFF30] =	vst v15;
	v15 =	vadd.s32 s3, v4;
	v10 =	vld.idx.msk [tilespmem:v10+s24+$0x0], $0xffff  }
0xdd: {  	v18 =	vadd.s32 s9, v2;
	[tilespmem:s15+$0x0] =	vst v17;
	v14 =	vld.idx.msk [tilespmem:v14+s24+$0x0], $0xffff  }
0xde: {  	v17 =	vld.idx.msk [tilespmem:v19+s24+$0x0], $0xffff;
	v19 =	vadd.s32 s2, v5;
	[tilespmem:s15+$0x80] =	vst v16  }
0xdf: {  	v20 =	vadd.s32 s12, v1;
	[tilespmem:s22+$0xFFFFFFC0] =	vst v13;
	v21 =	vld.idx.msk [tilespmem:v8+s24+$0x0], $0xffff  }
0xe0: {  	v22 =	vadd.s32 s11, v2;
	[tilespmem:s22+$0x30] =	vst v11;
	v23 =	vld.idx.msk [tilespmem:v12+s24+$0x0], $0xffff  }
0xe1: {  	v24 =	vadd.s32 s20, v2;
	v25 =	vld.idx.msk [tilespmem:v15+s24+$0x0], $0xffff;
	[tilespmem:s15+$0xFFFFFF10] =	vst v10  }
0xe2: {  	v13 =	vld.idx.msk [tilespmem:v18+s24+$0x0], $0xffff;
	v18 =	vadd.s32 s18, v6;
	[tilespmem:s22+$0xFFFFFF40] =	vst v14  }
0xe3: {  	[tilespmem:s15+$0xFFFFFF90] =	vst v17;
	v11 =	vld.idx.msk [tilespmem:v19+s24+$0x0], $0xffff;
	v19 =	vadd.s32 s3, v5  }
0xe4: {  	v16 =	vadd.s32 s9, v3;
	v17 =	vld.idx.msk [tilespmem:v20+s24+$0x0], $0xffff;
	[tilespmem:s15+$0x10] =	vst v21  }
0xe5: {  	v12 =	vadd.s32 s30, v5;
	v14 =	vld.idx.msk [tilespmem:v22+s24+$0x0], $0xffff;
	[tilespmem:s22+$0xFFFFFFD0] =	vst v23  }
0xe6: {  	v20 =	vadd.s32 s11, v3;
	v21 =	vadd.s32 s12, v2;
	v15 =	vld.idx.msk [tilespmem:v24+s24+$0x0], $0xffff;
	s19 =	rddreg [dreg:$0xb]  }
0xe7: {  	s16 =	simm.s32 $0x8;
	s14 =	simm.s32 $0xF380;
	v8 =	vadd.s32 s20, v3;
	v10 =	vadd.s32 s18, v7;
	v18 =	vld.idx.msk [tilespmem:v18+s24+$0x0], $0xffff;
	[tilespmem:s22+$0x40] =	vst v25;
	s13 =	sadd.s32 s7, s19  }
.LBB2_5:
0xe8: {  	s19 =	sshll.u32 s16, $0x7;
	p2 =	slt.u32 s16, $0x4C;
	s16 =	sadd.s32 $0x4, s16;
	[tilespmem:s15+$0xFFFFFF20] =	vst v13;
	v13 =	vld.idx.msk [tilespmem:v19+s24+$0x0], $0xffff  }
0xe9: {  	v22 =	vadd.s32 s3, v6;
	v19 =	vadd.s32 s19, v0;
	s17 =	sadd.s32 $0x80, s19;
	s18 =	sadd.s32 $0x180, s19;
	v16 =	vld.idx.msk [tilespmem:v16+s24+$0x0], $0xffff;
	[tilespmem:s22+$0xC0] =	vst v9  }
0xea: {  	s6 =	sadd.s32 $0x100, s19;
	v9 =	vadd.s32 s17, v0;
	v23 =	vadd.s32 s18, v0;
	[tilespmem:s15+$0x90] =	vst v17;
	v12 =	vld.idx.msk [tilespmem:v12+s24+$0x0], $0xffff  }
0xeb: {  	v17 =	vadd.s32 s6, v0;
	v24 =	vadd.s32 s6, v3;
	[tilespmem:s15+$0xFFFFFFA0] =	vst v14;
	v14 =	vld.idx.msk [tilespmem:v21+s24+$0x0], $0xffff;
	v21 =	vadd.s32 s2, v6  }
0xec: {  	v20 =	vld.idx.msk [tilespmem:v20+s24+$0x0], $0xffff;
	[tilespmem:s15+$0x20] =	vst v15  }
0xed: {  	v25 =	vadd.s32 s12, v3;
	v15 =	vld.idx.msk [tilespmem:v8+s24+$0x0], $0xffff;
	[tilespmem:s22+$0xFFFFFFE0] =	vst v18;
	v8 =	vmov v24  }
0xee: {  	v18 =	vadd.s32 s11, v4;
	v10 =	vld.idx.msk [tilespmem:v10+s24+$0x0], $0xffff;
	[tilespmem:s22+$0x50] =	vst v13  }
0xef: {  	[tilespmem:s22+$0xFFFFFF50] =	vst v11;
	v11 =	vld.idx.msk [tilespmem:v22+s24+$0x0], $0xffff  }
0xf0: {  	v13 =	vld.idx.msk [tilespmem:v19+s24+$0x0], $0xffff;
	v19 =	vadd.s32 s19, v1;
	[tilespmem:s15+$0xFFFFFF30] =	vst v16;
	v16 =	vadd.s32 s30, v6  }
0xf1: {  	v22 =	vadd.s32 s17, v1;
	[tilespmem:s15+$0xA0] =	vst v14;
	v14 =	vld.idx.msk [tilespmem:v21+s24+$0x0], $0xffff  }
0xf2: {  	v21 =	vadd.s32 s6, v1;
	[tilespmem:s15+$0xFFFFFFB0] =	vst v20;
	v20 =	vld.idx.msk [tilespmem:v25+s24+$0x0], $0xffff  }
0xf3: {  	v24 =	vadd.s32 s18, v1;
	s15 =	sadd.s32 $0x200, s15;
	v25 =	vadd.s32 s3, v7;
	s3 =	smov.u32 s20;
	s20 =	smov.u32 s6;
	v18 =	vld.idx.msk [tilespmem:v18+s24+$0x0], $0xffff;
	[tilespmem:s22+$0xD0] =	vst v12  }
0xf4: {  	v12 =	vld.idx.msk [tilespmem:v9+s24+$0x0], $0xffff;
	v9 =	vadd.s32 s12, v4;
	[tilespmem:s22+$0xFFFFFFF0] =	vst v10  }
0xf5: {  	v10 =	vld.idx.msk [tilespmem:v17+s24+$0x0], $0xffff;
	v17 =	vadd.s32 s2, v7;
	[tilespmem:s22+$0x60] =	vst v11;
	s2 =	smov.u32 s9;
	s9 =	smov.u32 s19  }
0xf6: {  	[tilespmem:s15+$0xFFFFFF00] =	vst v13;
	v11 =	vadd.s32 s2, v4;
	v13 =	vld.idx.msk [tilespmem:v16+s24+$0x0], $0xffff  }
0xf7: {  	v16 =	vld.idx.msk [tilespmem:v19+s24+$0x0], $0xffff;
	[tilespmem:s22+$0xFFFFFF60] =	vst v14;
	v14 =	vadd.s32 s30, v7;
	s30 =	smov.u32 s12;
	s12 =	smov.u32 s18  }
0xf8: {  	[tilespmem:s14+$0xB0] =	vst v20;
	v19 =	vld.idx.msk [tilespmem:v25+s24+$0x0], $0xffff  }
0xf9: {  	[tilespmem:s14+$0xFFFFFFC0] =	vst v18;
	v9 =	vld.idx.msk [tilespmem:v9+s24+$0x0], $0xffff  }
0xfa: {  	[tilespmem:s15+$0xFFFFFF80] =	vst v12;
	v12 =	vld.idx.msk [tilespmem:v17+s24+$0x0], $0xffff  }
0xfb: {  	v17 =	vadd.s32 s11, v5;
	[tilespmem:s15+$0x0] =	vst v10;
	v11 =	vld.idx.msk [tilespmem:v11+s24+$0x0], $0xffff  }
0xfc: {  	v20 =	vadd.s32 s3, v4;
	v18 =	vld.idx.msk [tilespmem:v23+s24+$0x0], $0xffff;
	[tilespmem:s22+$0xE0] =	vst v13  }
0xfd: {  	v10 =	vadd.s32 s11, v7;
	v13 =	vadd.s32 s9, v2;
	[tilespmem:s14+$0x30] =	vst v15;
	v14 =	vld.idx.msk [tilespmem:v14+s24+$0x0], $0xffff  }
0xfe: {  	v15 =	vld.idx.msk [tilespmem:v22+s24+$0x0], $0xffff;
	v22 =	vadd.s32 s2, v5;
	[tilespmem:s22+$0x70] =	vst v19  }
0xff: {  	[tilespmem:s15+$0xFFFFFF10] =	vst v16;
	v21 =	vld.idx.msk [tilespmem:v21+s24+$0x0], $0xffff  }
0x100: {  	v23 =	vadd.s32 s17, v2;
	v25 =	vld.idx.msk [tilespmem:v17+s24+$0x0], $0xffff;
	[tilespmem:s22+$0xFFFFFF70] =	vst v12  }
0x101: {  	v26 =	vadd.s32 s20, v2;
	[tilespmem:s14+$0xFFFFFF40] =	vst v11;
	v27 =	vld.idx.msk [tilespmem:v20+s24+$0x0], $0xffff  }
0x102: {  	v13 =	vld.idx.msk [tilespmem:v13+s24+$0x0], $0xffff;
	[tilespmem:s15+$0x80] =	vst v18;
	v18 =	vadd.s32 s11, v6;
	s11 =	smov.u32 s17  }
.Ltmp3:
0x103: {  	v19 =	vadd.s32 s3, v5;
	v11 =	vld.idx.msk [tilespmem:v22+s24+$0x0], $0xffff;
	[tilespmem:s22+$0xF0] =	vst v14;
	s22 =	smov.u32 s14;
	s14 =	smov.u32 s15;
	(pc) =	sbr.rel @p2 .LBB2_5-.Ltmp3, $4  }
0x104: {  	v16 =	vadd.s32 s9, v3;
	[tilespmem:s15+$0xFFFFFF90] =	vst v15;
	v17 =	vld.idx.msk [tilespmem:v24+s24+$0x0], $0xffff  }
0x105: {  	v12 =	vadd.s32 s30, v5;
	v14 =	vld.idx.msk [tilespmem:v23+s24+$0x0], $0xffff;
	[tilespmem:s15+$0x10] =	vst v21  }
0x106: {  	v21 =	vadd.s32 s12, v2;
	v15 =	vld.idx.msk [tilespmem:v26+s24+$0x0], $0xffff;
	[tilespmem:s22+$0xFFFFFFD0] =	vst v25  }
0x107: {  	v20 =	vadd.s32 s11, v3;
	v18 =	vld.idx.msk [tilespmem:v18+s24+$0x0], $0xffff;
	[tilespmem:s22+$0x40] =	vst v27  }
0x108: {  	_ =	sdelay $0x2  }
0x109: {  	[tilespmem:s15+$0x90] =	vst v17  }
0x10a: {  	[tilespmem:s15+$0xFFFFFF20] =	vst v13;
	v13 =	vld.idx.msk [tilespmem:v21+s24+$0x0], $0xffff  }
0x10b: {  	[tilespmem:s22+$0xC0] =	vst v9;
	v9 =	vadd.s32 s12, v3;
	v17 =	vld.idx.msk [tilespmem:v19+s24+$0x0], $0xffff  }
0x10c: {  	[tilespmem:s15+$0xFFFFFFA0] =	vst v14  }
0x10d: {  	v14 =	vld.idx.msk [tilespmem:v20+s24+$0x0], $0xffff;
	[tilespmem:s15+$0x20] =	vst v15  }
0x10e: {  	[tilespmem:s22+$0xFFFFFF50] =	vst v11;
	v15 =	vadd.s32 s11, v4;
	v8 =	vld.idx.msk [tilespmem:v8+s24+$0x0], $0xffff  }
0x10f: {  	v16 =	vld.idx.msk [tilespmem:v16+s24+$0x0], $0xffff;
	[tilespmem:s15+$0xA0] =	vst v13;
	v13 =	vadd.s32 s20, v4  }
0x110: {  	[tilespmem:s22+$0x50] =	vst v17;
	v17 =	vadd.s32 s9, v4;
	v9 =	vld.idx.msk [tilespmem:v9+s24+$0x0], $0xffff  }
0x111: {  	v11 =	vadd.s32 s12, v4;
	v12 =	vld.idx.msk [tilespmem:v12+s24+$0x0], $0xffff;
	[tilespmem:s22+$0xFFFFFFE0] =	vst v18  }
0x112: {  	v18 =	vadd.s32 s3, v6;
	v10 =	vld.idx.msk [tilespmem:v10+s24+$0x0], $0xffff;
	[tilespmem:s15+$0xFFFFFFB0] =	vst v14  }
0x113: {  	v14 =	vadd.s32 s2, v6;
	v15 =	vld.idx.msk [tilespmem:v15+s24+$0x0], $0xffff;
	[tilespmem:s14+$0x30] =	vst v8  }
0x114: {  	[tilespmem:s15+$0xFFFFFF30] =	vst v16;
	v8 =	vadd.s32 s11, v5;
	v13 =	vld.idx.msk [tilespmem:v13+s24+$0x0], $0xffff  }
0x115: {  	v16 =	vadd.s32 s20, v5;
	[tilespmem:s14+$0xB0] =	vst v9;
	v9 =	vld.idx.msk [tilespmem:v17+s24+$0x0], $0xffff  }
0x116: {  	[tilespmem:s22+$0xD0] =	vst v12;
	v12 =	vadd.s32 s9, v5;
	v11 =	vld.idx.msk [tilespmem:v11+s24+$0x0], $0xffff  }
0x117: {  	[tilespmem:s22+$0xFFFFFFF0] =	vst v10;
	v10 =	vadd.s32 s12, v5;
	v17 =	vld.idx.msk [tilespmem:v18+s24+$0x0], $0xffff  }
0x118: {  	v18 =	vadd.s32 s30, v6;
	v14 =	vld.idx.msk [tilespmem:v14+s24+$0x0], $0xffff;
	[tilespmem:s14+$0xFFFFFFC0] =	vst v15  }
0x119: {  	v15 =	vadd.s32 s3, v7;
	v8 =	vld.idx.msk [tilespmem:v8+s24+$0x0], $0xffff;
	[tilespmem:s14+$0x40] =	vst v13  }
0x11a: {  	[tilespmem:s14+$0xFFFFFF40] =	vst v9;
	v9 =	vadd.s32 s11, v6;
	v13 =	vld.idx.msk [tilespmem:v16+s24+$0x0], $0xffff  }
0x11b: {  	v16 =	vadd.s32 s20, v6;
	v12 =	vld.idx.msk [tilespmem:v12+s24+$0x0], $0xffff;
	[tilespmem:s14+$0xC0] =	vst v11  }
0x11c: {  	[tilespmem:s22+$0x60] =	vst v17;
	v11 =	vadd.s32 s9, v6;
	v10 =	vld.idx.msk [tilespmem:v10+s24+$0x0], $0xffff  }
0x11d: {  	v17 =	vld.idx.msk [tilespmem:v18+s24+$0x0], $0xffff;
	[tilespmem:s22+$0xFFFFFF60] =	vst v14;
	v14 =	vadd.s32 s12, v6  }
0x11e: {  	v18 =	vadd.s32 s2, v7;
	v15 =	vld.idx.msk [tilespmem:v15+s24+$0x0], $0xffff;
	[tilespmem:s14+$0xFFFFFFD0] =	vst v8  }
0x11f: {  	v8 =	vadd.s32 s30, v7;
	v9 =	vld.idx.msk [tilespmem:v9+s24+$0x0], $0xffff;
	[tilespmem:s14+$0x50] =	vst v13  }
0x120: {  	v13 =	vadd.s32 s11, v7;
	[tilespmem:s14+$0xFFFFFF50] =	vst v12;
	v12 =	vld.idx.msk [tilespmem:v16+s24+$0x0], $0xffff  }
0x121: {  	v16 =	vadd.s32 s20, v7;
	v11 =	vld.idx.msk [tilespmem:v11+s24+$0x0], $0xffff;
	[tilespmem:s14+$0xD0] =	vst v10  }
0x122: {  	[tilespmem:s22+$0xE0] =	vst v17;
	v10 =	vadd.s32 s9, v7;
	v14 =	vld.idx.msk [tilespmem:v14+s24+$0x0], $0xffff  }
0x123: {  	v17 =	vld.idx.msk [tilespmem:v18+s24+$0x0], $0xffff;
	[tilespmem:s22+$0x70] =	vst v15;
	v15 =	vadd.s32 s12, v7  }
0x124: {  	v8 =	vld.idx.msk [tilespmem:v8+s24+$0x0], $0xffff;
	[tilespmem:s14+$0xFFFFFFE0] =	vst v9  }
0x125: {  	v9 =	vld.idx.msk [tilespmem:v13+s24+$0x0], $0xffff;
	[tilespmem:s14+$0x60] =	vst v12  }
0x126: {  	[tilespmem:s14+$0xFFFFFF60] =	vst v11;
	v11 =	vld.idx.msk [tilespmem:v16+s24+$0x0], $0xffff  }
0x127: {  	v10 =	vld.idx.msk [tilespmem:v10+s24+$0x0], $0xffff;
	[tilespmem:s14+$0xE0] =	vst v14  }
0x128: {  	[tilespmem:s22+$0xFFFFFF70] =	vst v17;
	v12 =	vld.idx.msk [tilespmem:v15+s24+$0x0], $0xffff  }
0x129: {  	[tilespmem:s22+$0xF0] =	vst v8  }
0x12a: {  	[tilespmem:s14+$0xFFFFFFF0] =	vst v9  }
0x12b: {  	[tilespmem:s14+$0x70] =	vst v11  }
0x12c: {  	s16 =	sshll.u32 s13, $0x4;
	[tilespmem:s14+$0xFFFFFF70] =	vst v10  }
0x12d: {  	s17 =	simm.s32 $0xF080;
	s2 =	sadd.s32 s5, s16;
	[tilespmem:s14+$0xF0] =	vst v12  }
0x12e: {  	[hbm4b:s2+s4] =	stream.linear.scatter [tilespmem:s17], [sflag:$0x7], $0x2800, $0x38;
	[tilespmem:$0x19080] =	vst v63  }
0x12f: {  	s2 =	rddreg [dreg:$0xc]  }
0x130: {  	s2 =	sadd.s32 @!p1 s7, s2  }
0x131: {  	s2 =	sshll.u32 @!p1 s2, $0x4  }
0x132: {  	s6 =	simm.s32 @!p1 $0x2880;
	s3 =	simm.s32 @!p1 $0x0;
	s2 =	sadd.s32 @!p1 s1, s2  }
0x133: {  	[tilespmem:s6], [sflag:$0x2] =	stream.linear.gather @!p1 [hbm4b:s2+s3], $0x2800, $0x38;
	[tilespmem:$0x19080] =	vst v63  }
0x134: {  	s18 =	simm.s32 $0x80;
	_ =	swait.ge [sflag:s0], $0x2800  }
0x135: {  	v8 =	vadd.s32 s18, v0;
	[sflag:s0] =	ssyncset.done $0x0  }
0x136: {  	s3 =	simm.s32 @!p0 $0x8;
	s2 =	simm.s32 $0x0;
	[sflag:s0] =	ssyncadd.s32 $0xFFFFD800  }
0x137: {  	v9 =	vadd.s32 s2, v0;
	_ =	swait.ge @!p0 [sflag:s3], $0x2800  }
0x138: {  	s30 =	simm.s32 $0x180;
	[sflag:s3] =	ssyncset.done @!p0 $0x0  }
0x139: {  	v10 =	vadd.s32 s30, v0;
	[sflag:s3] =	ssyncadd.s32 @!p0 $0xFFFFD800;
	s3 =	simm.s32 $0x100  }
0x13a: {  	v11 =	vadd.s32 s3, v0;
	v8 =	vld.idx.msk [tilespmem:v8+s25+$0x0], $0xffff  }
0x13b: {  	v12 =	vadd.s32 s18, v1  }
0x13c: {  	v9 =	vld.idx.msk [tilespmem:v9+s25+$0x0], $0xffff;
	_ =	sdelay $0x1  }
0x13d: {  	s22 =	simm.s32 $0x11980;
	v13 =	vadd.s32 s2, v1;
	v10 =	vld.idx.msk [tilespmem:v10+s25+$0x0], $0xffff  }
0x13e: {  	v14 =	vadd.s32 s30, v1;
	v11 =	vld.idx.msk [tilespmem:v11+s25+$0x0], $0xffff;
	[tilespmem:s22+$0xFFFFFF80] =	vst v8  }
0x13f: {  	v8 =	vadd.s32 s3, v1;
	v12 =	vld.idx.msk [tilespmem:v12+s25+$0x0], $0xffff  }
0x140: {  	[tilespmem:s22+$0xFFFFFF00] =	vst v9;
	v9 =	vadd.s32 s18, v2;
	_ =	sdelay $0x1  }
0x141: {  	[tilespmem:s22+$0x80] =	vst v10;
	v13 =	vld.idx.msk [tilespmem:v13+s25+$0x0], $0xffff  }
0x142: {  	v15 =	vadd.s32 s2, v2;
	v10 =	vld.idx.msk [tilespmem:v14+s25+$0x0], $0xffff;
	[tilespmem:s22+$0x0] =	vst v11  }
0x143: {  	v11 =	vadd.s32 s30, v2;
	v8 =	vld.idx.msk [tilespmem:v8+s25+$0x0], $0xffff;
	[tilespmem:s22+$0xFFFFFF90] =	vst v12  }
0x144: {  	s11 =	simm.s32 $0x280;
	v12 =	vadd.s32 s3, v2;
	v9 =	vld.idx.msk [tilespmem:v9+s25+$0x0], $0xffff  }
0x145: {  	v16 =	vadd.s32 s11, v0  }
0x146: {  	s20 =	simm.s32 $0x300;
	[tilespmem:s22+$0xFFFFFF10] =	vst v13;
	v13 =	vadd.s32 s18, v3  }
0x147: {  	s9 =	simm.s32 $0x200;
	v17 =	vadd.s32 s20, v0;
	[tilespmem:s22+$0x90] =	vst v10;
	v14 =	vld.idx.msk [tilespmem:v15+s25+$0x0], $0xffff  }
0x148: {  	v10 =	vld.idx.msk [tilespmem:v11+s25+$0x0], $0xffff;
	[tilespmem:s22+$0x10] =	vst v8;
	v8 =	vadd.s32 s9, v0  }
0x149: {  	v11 =	vld.idx.msk [tilespmem:v12+s25+$0x0], $0xffff;
	[tilespmem:s22+$0xFFFFFFA0] =	vst v9;
	v9 =	vadd.s32 s30, v3  }
0x14a: {  	v16 =	vld.idx.msk [tilespmem:v16+s25+$0x0], $0xffff;
	v12 =	vadd.s32 s3, v3  }
0x14b: {  	v15 =	vadd.s32 s2, v3;
	v13 =	vld.idx.msk [tilespmem:v13+s25+$0x0], $0xffff  }
0x14c: {  	s12 =	simm.s32 $0x380;
	v17 =	vld.idx.msk [tilespmem:v17+s25+$0x0], $0xffff;
	[tilespmem:s22+$0xFFFFFF20] =	vst v14;
	v14 =	vadd.s32 s18, v4  }
0x14d: {  	v18 =	vadd.s32 s12, v0;
	[tilespmem:s22+$0xA0] =	vst v10;
	v8 =	vld.idx.msk [tilespmem:v8+s25+$0x0], $0xffff  }
0x14e: {  	[tilespmem:s22+$0x20] =	vst v11;
	v9 =	vld.idx.msk [tilespmem:v9+s25+$0x0], $0xffff  }
0x14f: {  	v11 =	vld.idx.msk [tilespmem:v12+s25+$0x0], $0xffff;
	v12 =	vadd.s32 s30, v4  }
0x150: {  	s15 =	simm.s32 $0x11B80;
	v15 =	vld.idx.msk [tilespmem:v15+s25+$0x0], $0xffff;
	v10 =	vadd.s32 s9, v1;
	[tilespmem:s22+$0xFFFFFFB0] =	vst v13  }
0x151: {  	[tilespmem:s15+$0xFFFFFF80] =	vst v16;
	v13 =	vld.idx.msk [tilespmem:v14+s25+$0x0], $0xffff;
	v14 =	vadd.s32 s2, v4  }
0x152: {  	v19 =	vadd.s32 s11, v1;
	v16 =	vld.idx.msk [tilespmem:v18+s25+$0x0], $0xffff;
	[tilespmem:s15+$0xFFFFFF00] =	vst v8  }
0x153: {  	v8 =	vadd.s32 s20, v1;
	[tilespmem:s22+$0xB0] =	vst v9  }
0x154: {  	v9 =	vld.idx.msk [tilespmem:v12+s25+$0x0], $0xffff;
	v12 =	vadd.s32 s18, v5  }
0x155: {  	[tilespmem:s22+$0xFFFFFF30] =	vst v15;
	v15 =	vadd.s32 s3, v4;
	v10 =	vld.idx.msk [tilespmem:v10+s25+$0x0], $0xffff  }
0x156: {  	v18 =	vadd.s32 s9, v2;
	[tilespmem:s15+$0x0] =	vst v17;
	v14 =	vld.idx.msk [tilespmem:v14+s25+$0x0], $0xffff  }
0x157: {  	v17 =	vld.idx.msk [tilespmem:v19+s25+$0x0], $0xffff;
	v19 =	vadd.s32 s2, v5;
	[tilespmem:s15+$0x80] =	vst v16  }
0x158: {  	v20 =	vadd.s32 s12, v1;
	[tilespmem:s22+$0xFFFFFFC0] =	vst v13;
	v21 =	vld.idx.msk [tilespmem:v8+s25+$0x0], $0xffff  }
0x159: {  	v22 =	vadd.s32 s11, v2;
	[tilespmem:s22+$0x30] =	vst v11;
	v23 =	vld.idx.msk [tilespmem:v12+s25+$0x0], $0xffff  }
0x15a: {  	v24 =	vadd.s32 s20, v2;
	v25 =	vld.idx.msk [tilespmem:v15+s25+$0x0], $0xffff;
	[tilespmem:s15+$0xFFFFFF10] =	vst v10  }
0x15b: {  	v13 =	vld.idx.msk [tilespmem:v18+s25+$0x0], $0xffff;
	v18 =	vadd.s32 s18, v6;
	[tilespmem:s22+$0xFFFFFF40] =	vst v14  }
0x15c: {  	[tilespmem:s15+$0xFFFFFF90] =	vst v17;
	v11 =	vld.idx.msk [tilespmem:v19+s25+$0x0], $0xffff;
	v19 =	vadd.s32 s3, v5  }
0x15d: {  	v16 =	vadd.s32 s9, v3;
	v17 =	vld.idx.msk [tilespmem:v20+s25+$0x0], $0xffff;
	[tilespmem:s15+$0x10] =	vst v21  }
0x15e: {  	v12 =	vadd.s32 s30, v5;
	v14 =	vld.idx.msk [tilespmem:v22+s25+$0x0], $0xffff;
	[tilespmem:s22+$0xFFFFFFD0] =	vst v23  }
0x15f: {  	v20 =	vadd.s32 s11, v3;
	v21 =	vadd.s32 s12, v2;
	v15 =	vld.idx.msk [tilespmem:v24+s25+$0x0], $0xffff;
	s19 =	rddreg [dreg:$0xd]  }
0x160: {  	s16 =	simm.s32 $0x8;
	s14 =	simm.s32 $0x11B80;
	v8 =	vadd.s32 s20, v3;
	v10 =	vadd.s32 s18, v7;
	v18 =	vld.idx.msk [tilespmem:v18+s25+$0x0], $0xffff;
	[tilespmem:s22+$0x40] =	vst v25;
	s13 =	sadd.s32 s7, s19  }
.LBB2_7:
0x161: {  	s19 =	sshll.u32 s16, $0x7;
	p2 =	slt.u32 s16, $0x4C;
	s16 =	sadd.s32 $0x4, s16;
	[tilespmem:s15+$0xFFFFFF20] =	vst v13;
	v13 =	vld.idx.msk [tilespmem:v19+s25+$0x0], $0xffff  }
0x162: {  	v22 =	vadd.s32 s3, v6;
	v19 =	vadd.s32 s19, v0;
	s17 =	sadd.s32 $0x80, s19;
	s18 =	sadd.s32 $0x180, s19;
	v16 =	vld.idx.msk [tilespmem:v16+s25+$0x0], $0xffff;
	[tilespmem:s22+$0xC0] =	vst v9  }
0x163: {  	s6 =	sadd.s32 $0x100, s19;
	v9 =	vadd.s32 s17, v0;
	v23 =	vadd.s32 s18, v0;
	[tilespmem:s15+$0x90] =	vst v17;
	v12 =	vld.idx.msk [tilespmem:v12+s25+$0x0], $0xffff  }
0x164: {  	v17 =	vadd.s32 s6, v0;
	v24 =	vadd.s32 s6, v3;
	[tilespmem:s15+$0xFFFFFFA0] =	vst v14;
	v14 =	vld.idx.msk [tilespmem:v21+s25+$0x0], $0xffff;
	v21 =	vadd.s32 s2, v6  }
0x165: {  	v20 =	vld.idx.msk [tilespmem:v20+s25+$0x0], $0xffff;
	[tilespmem:s15+$0x20] =	vst v15  }
0x166: {  	v25 =	vadd.s32 s12, v3;
	v15 =	vld.idx.msk [tilespmem:v8+s25+$0x0], $0xffff;
	[tilespmem:s22+$0xFFFFFFE0] =	vst v18;
	v8 =	vmov v24  }
0x167: {  	v18 =	vadd.s32 s11, v4;
	v10 =	vld.idx.msk [tilespmem:v10+s25+$0x0], $0xffff;
	[tilespmem:s22+$0x50] =	vst v13  }
0x168: {  	[tilespmem:s22+$0xFFFFFF50] =	vst v11;
	v11 =	vld.idx.msk [tilespmem:v22+s25+$0x0], $0xffff  }
0x169: {  	v13 =	vld.idx.msk [tilespmem:v19+s25+$0x0], $0xffff;
	v19 =	vadd.s32 s19, v1;
	[tilespmem:s15+$0xFFFFFF30] =	vst v16;
	v16 =	vadd.s32 s30, v6  }
0x16a: {  	v22 =	vadd.s32 s17, v1;
	[tilespmem:s15+$0xA0] =	vst v14;
	v14 =	vld.idx.msk [tilespmem:v21+s25+$0x0], $0xffff  }
0x16b: {  	v21 =	vadd.s32 s6, v1;
	[tilespmem:s15+$0xFFFFFFB0] =	vst v20;
	v20 =	vld.idx.msk [tilespmem:v25+s25+$0x0], $0xffff  }
0x16c: {  	v24 =	vadd.s32 s18, v1;
	s15 =	sadd.s32 $0x200, s15;
	v25 =	vadd.s32 s3, v7;
	s3 =	smov.u32 s20;
	s20 =	smov.u32 s6;
	v18 =	vld.idx.msk [tilespmem:v18+s25+$0x0], $0xffff;
	[tilespmem:s22+$0xD0] =	vst v12  }
0x16d: {  	v12 =	vld.idx.msk [tilespmem:v9+s25+$0x0], $0xffff;
	v9 =	vadd.s32 s12, v4;
	[tilespmem:s22+$0xFFFFFFF0] =	vst v10  }
0x16e: {  	v10 =	vld.idx.msk [tilespmem:v17+s25+$0x0], $0xffff;
	v17 =	vadd.s32 s2, v7;
	[tilespmem:s22+$0x60] =	vst v11;
	s2 =	smov.u32 s9;
	s9 =	smov.u32 s19  }
0x16f: {  	[tilespmem:s15+$0xFFFFFF00] =	vst v13;
	v11 =	vadd.s32 s2, v4;
	v13 =	vld.idx.msk [tilespmem:v16+s25+$0x0], $0xffff  }
0x170: {  	v16 =	vld.idx.msk [tilespmem:v19+s25+$0x0], $0xffff;
	[tilespmem:s22+$0xFFFFFF60] =	vst v14;
	v14 =	vadd.s32 s30, v7;
	s30 =	smov.u32 s12;
	s12 =	smov.u32 s18  }
0x171: {  	[tilespmem:s14+$0xB0] =	vst v20;
	v19 =	vld.idx.msk [tilespmem:v25+s25+$0x0], $0xffff  }
0x172: {  	[tilespmem:s14+$0xFFFFFFC0] =	vst v18;
	v9 =	vld.idx.msk [tilespmem:v9+s25+$0x0], $0xffff  }
0x173: {  	[tilespmem:s15+$0xFFFFFF80] =	vst v12;
	v12 =	vld.idx.msk [tilespmem:v17+s25+$0x0], $0xffff  }
0x174: {  	v17 =	vadd.s32 s11, v5;
	[tilespmem:s15+$0x0] =	vst v10;
	v11 =	vld.idx.msk [tilespmem:v11+s25+$0x0], $0xffff  }
0x175: {  	v20 =	vadd.s32 s3, v4;
	v18 =	vld.idx.msk [tilespmem:v23+s25+$0x0], $0xffff;
	[tilespmem:s22+$0xE0] =	vst v13  }
0x176: {  	v10 =	vadd.s32 s11, v7;
	v13 =	vadd.s32 s9, v2;
	[tilespmem:s14+$0x30] =	vst v15;
	v14 =	vld.idx.msk [tilespmem:v14+s25+$0x0], $0xffff  }
0x177: {  	v15 =	vld.idx.msk [tilespmem:v22+s25+$0x0], $0xffff;
	v22 =	vadd.s32 s2, v5;
	[tilespmem:s22+$0x70] =	vst v19  }
0x178: {  	[tilespmem:s15+$0xFFFFFF10] =	vst v16;
	v21 =	vld.idx.msk [tilespmem:v21+s25+$0x0], $0xffff  }
0x179: {  	v23 =	vadd.s32 s17, v2;
	v25 =	vld.idx.msk [tilespmem:v17+s25+$0x0], $0xffff;
	[tilespmem:s22+$0xFFFFFF70] =	vst v12  }
0x17a: {  	v26 =	vadd.s32 s20, v2;
	[tilespmem:s14+$0xFFFFFF40] =	vst v11;
	v27 =	vld.idx.msk [tilespmem:v20+s25+$0x0], $0xffff  }
0x17b: {  	v13 =	vld.idx.msk [tilespmem:v13+s25+$0x0], $0xffff;
	[tilespmem:s15+$0x80] =	vst v18;
	v18 =	vadd.s32 s11, v6;
	s11 =	smov.u32 s17  }
.Ltmp4:
0x17c: {  	v19 =	vadd.s32 s3, v5;
	v11 =	vld.idx.msk [tilespmem:v22+s25+$0x0], $0xffff;
	[tilespmem:s22+$0xF0] =	vst v14;
	s22 =	smov.u32 s14;
	s14 =	smov.u32 s15;
	(pc) =	sbr.rel @p2 .LBB2_7-.Ltmp4, $4  }
0x17d: {  	v16 =	vadd.s32 s9, v3;
	[tilespmem:s15+$0xFFFFFF90] =	vst v15;
	v17 =	vld.idx.msk [tilespmem:v24+s25+$0x0], $0xffff  }
0x17e: {  	v12 =	vadd.s32 s30, v5;
	v14 =	vld.idx.msk [tilespmem:v23+s25+$0x0], $0xffff;
	[tilespmem:s15+$0x10] =	vst v21  }
0x17f: {  	v21 =	vadd.s32 s12, v2;
	v15 =	vld.idx.msk [tilespmem:v26+s25+$0x0], $0xffff;
	[tilespmem:s22+$0xFFFFFFD0] =	vst v25  }
0x180: {  	v20 =	vadd.s32 s11, v3;
	v18 =	vld.idx.msk [tilespmem:v18+s25+$0x0], $0xffff;
	[tilespmem:s22+$0x40] =	vst v27  }
0x181: {  	_ =	sdelay $0x2  }
0x182: {  	[tilespmem:s15+$0x90] =	vst v17  }
0x183: {  	[tilespmem:s15+$0xFFFFFF20] =	vst v13;
	v13 =	vld.idx.msk [tilespmem:v21+s25+$0x0], $0xffff  }
0x184: {  	[tilespmem:s22+$0xC0] =	vst v9;
	v9 =	vadd.s32 s12, v3;
	v17 =	vld.idx.msk [tilespmem:v19+s25+$0x0], $0xffff  }
0x185: {  	[tilespmem:s15+$0xFFFFFFA0] =	vst v14  }
0x186: {  	v14 =	vld.idx.msk [tilespmem:v20+s25+$0x0], $0xffff;
	[tilespmem:s15+$0x20] =	vst v15  }
0x187: {  	[tilespmem:s22+$0xFFFFFF50] =	vst v11;
	v15 =	vadd.s32 s11, v4;
	v8 =	vld.idx.msk [tilespmem:v8+s25+$0x0], $0xffff  }
0x188: {  	v16 =	vld.idx.msk [tilespmem:v16+s25+$0x0], $0xffff;
	[tilespmem:s15+$0xA0] =	vst v13;
	v13 =	vadd.s32 s20, v4  }
0x189: {  	[tilespmem:s22+$0x50] =	vst v17;
	v17 =	vadd.s32 s9, v4;
	v9 =	vld.idx.msk [tilespmem:v9+s25+$0x0], $0xffff  }
0x18a: {  	v11 =	vadd.s32 s12, v4;
	v12 =	vld.idx.msk [tilespmem:v12+s25+$0x0], $0xffff;
	[tilespmem:s22+$0xFFFFFFE0] =	vst v18  }
0x18b: {  	v18 =	vadd.s32 s3, v6;
	v10 =	vld.idx.msk [tilespmem:v10+s25+$0x0], $0xffff;
	[tilespmem:s15+$0xFFFFFFB0] =	vst v14  }
0x18c: {  	v14 =	vadd.s32 s2, v6;
	v15 =	vld.idx.msk [tilespmem:v15+s25+$0x0], $0xffff;
	[tilespmem:s14+$0x30] =	vst v8  }
0x18d: {  	[tilespmem:s15+$0xFFFFFF30] =	vst v16;
	v8 =	vadd.s32 s11, v5;
	v13 =	vld.idx.msk [tilespmem:v13+s25+$0x0], $0xffff  }
0x18e: {  	v16 =	vadd.s32 s20, v5;
	[tilespmem:s14+$0xB0] =	vst v9;
	v9 =	vld.idx.msk [tilespmem:v17+s25+$0x0], $0xffff  }
0x18f: {  	[tilespmem:s22+$0xD0] =	vst v12;
	v12 =	vadd.s32 s9, v5;
	v11 =	vld.idx.msk [tilespmem:v11+s25+$0x0], $0xffff  }
0x190: {  	[tilespmem:s22+$0xFFFFFFF0] =	vst v10;
	v10 =	vadd.s32 s12, v5;
	v17 =	vld.idx.msk [tilespmem:v18+s25+$0x0], $0xffff  }
0x191: {  	v18 =	vadd.s32 s30, v6;
	v14 =	vld.idx.msk [tilespmem:v14+s25+$0x0], $0xffff;
	[tilespmem:s14+$0xFFFFFFC0] =	vst v15  }
0x192: {  	v15 =	vadd.s32 s3, v7;
	v8 =	vld.idx.msk [tilespmem:v8+s25+$0x0], $0xffff;
	[tilespmem:s14+$0x40] =	vst v13  }
0x193: {  	[tilespmem:s14+$0xFFFFFF40] =	vst v9;
	v9 =	vadd.s32 s11, v6;
	v13 =	vld.idx.msk [tilespmem:v16+s25+$0x0], $0xffff  }
0x194: {  	v16 =	vadd.s32 s20, v6;
	v12 =	vld.idx.msk [tilespmem:v12+s25+$0x0], $0xffff;
	[tilespmem:s14+$0xC0] =	vst v11  }
0x195: {  	[tilespmem:s22+$0x60] =	vst v17;
	v11 =	vadd.s32 s9, v6;
	v10 =	vld.idx.msk [tilespmem:v10+s25+$0x0], $0xffff  }
0x196: {  	v17 =	vld.idx.msk [tilespmem:v18+s25+$0x0], $0xffff;
	[tilespmem:s22+$0xFFFFFF60] =	vst v14;
	v14 =	vadd.s32 s12, v6  }
0x197: {  	v18 =	vadd.s32 s2, v7;
	v15 =	vld.idx.msk [tilespmem:v15+s25+$0x0], $0xffff;
	[tilespmem:s14+$0xFFFFFFD0] =	vst v8  }
0x198: {  	v8 =	vadd.s32 s30, v7;
	v9 =	vld.idx.msk [tilespmem:v9+s25+$0x0], $0xffff;
	[tilespmem:s14+$0x50] =	vst v13  }
0x199: {  	v13 =	vadd.s32 s11, v7;
	[tilespmem:s14+$0xFFFFFF50] =	vst v12;
	v12 =	vld.idx.msk [tilespmem:v16+s25+$0x0], $0xffff  }
0x19a: {  	v16 =	vadd.s32 s20, v7;
	v11 =	vld.idx.msk [tilespmem:v11+s25+$0x0], $0xffff;
	[tilespmem:s14+$0xD0] =	vst v10  }
0x19b: {  	[tilespmem:s22+$0xE0] =	vst v17;
	v10 =	vadd.s32 s9, v7;
	v14 =	vld.idx.msk [tilespmem:v14+s25+$0x0], $0xffff  }
0x19c: {  	v17 =	vld.idx.msk [tilespmem:v18+s25+$0x0], $0xffff;
	[tilespmem:s22+$0x70] =	vst v15;
	v15 =	vadd.s32 s12, v7  }
0x19d: {  	v8 =	vld.idx.msk [tilespmem:v8+s25+$0x0], $0xffff;
	[tilespmem:s14+$0xFFFFFFE0] =	vst v9  }
0x19e: {  	v9 =	vld.idx.msk [tilespmem:v13+s25+$0x0], $0xffff;
	[tilespmem:s14+$0x60] =	vst v12  }
0x19f: {  	[tilespmem:s14+$0xFFFFFF60] =	vst v11;
	v11 =	vld.idx.msk [tilespmem:v16+s25+$0x0], $0xffff  }
0x1a0: {  	v10 =	vld.idx.msk [tilespmem:v10+s25+$0x0], $0xffff;
	[tilespmem:s14+$0xE0] =	vst v14  }
0x1a1: {  	[tilespmem:s22+$0xFFFFFF70] =	vst v17;
	v12 =	vld.idx.msk [tilespmem:v15+s25+$0x0], $0xffff  }
0x1a2: {  	[tilespmem:s22+$0xF0] =	vst v8  }
0x1a3: {  	[tilespmem:s14+$0xFFFFFFF0] =	vst v9  }
0x1a4: {  	[tilespmem:s14+$0x70] =	vst v11  }
0x1a5: {  	s16 =	sshll.u32 s13, $0x4;
	[tilespmem:s14+$0xFFFFFF70] =	vst v10  }
0x1a6: {  	s17 =	simm.s32 $0x11880;
	s2 =	sadd.s32 s5, s16;
	[tilespmem:s14+$0xF0] =	vst v12  }
0x1a7: {  	[hbm4b:s2+s4] =	stream.linear.scatter [tilespmem:s17], [sflag:$0x8], $0x2800, $0x38;
	[tilespmem:$0x19080] =	vst v63  }
0x1a8: {  	s2 =	rddreg [dreg:$0xe]  }
0x1a9: {  	s2 =	sadd.s32 @!p1 s7, s2  }
0x1aa: {  	s2 =	sshll.u32 @!p1 s2, $0x4  }
0x1ab: {  	s6 =	simm.s32 @!p1 $0x5080;
	s3 =	simm.s32 @!p1 $0x0;
	s2 =	sadd.s32 @!p1 s1, s2  }
0x1ac: {  	[tilespmem:s6], [sflag:$0x3] =	stream.linear.gather @!p1 [hbm4b:s2+s3], $0x2800, $0x38;
	[tilespmem:$0x19080] =	vst v63  }
0x1ad: {  	s18 =	simm.s32 $0x80;
	_ =	swait.ge [sflag:s8], $0x2800  }
0x1ae: {  	v8 =	vadd.s32 s18, v0;
	[sflag:s8] =	ssyncset.done $0x0  }
0x1af: {  	s3 =	simm.s32 @!p0 $0x9;
	s2 =	simm.s32 $0x0;
	[sflag:s8] =	ssyncadd.s32 $0xFFFFD800  }
0x1b0: {  	v9 =	vadd.s32 s2, v0;
	_ =	swait.ge @!p0 [sflag:s3], $0x2800  }
0x1b1: {  	s30 =	simm.s32 $0x180;
	[sflag:s3] =	ssyncset.done @!p0 $0x0  }
0x1b2: {  	v10 =	vadd.s32 s30, v0;
	[sflag:s3] =	ssyncadd.s32 @!p0 $0xFFFFD800;
	s3 =	simm.s32 $0x100  }
0x1b3: {  	v11 =	vadd.s32 s3, v0;
	v8 =	vld.idx.msk [tilespmem:v8+s26+$0x0], $0xffff  }
0x1b4: {  	v12 =	vadd.s32 s18, v1  }
0x1b5: {  	v9 =	vld.idx.msk [tilespmem:v9+s26+$0x0], $0xffff;
	_ =	sdelay $0x1  }
0x1b6: {  	s22 =	simm.s32 $0x14180;
	v13 =	vadd.s32 s2, v1;
	v10 =	vld.idx.msk [tilespmem:v10+s26+$0x0], $0xffff  }
0x1b7: {  	v14 =	vadd.s32 s30, v1;
	v11 =	vld.idx.msk [tilespmem:v11+s26+$0x0], $0xffff;
	[tilespmem:s22+$0xFFFFFF80] =	vst v8  }
0x1b8: {  	v8 =	vadd.s32 s3, v1;
	v12 =	vld.idx.msk [tilespmem:v12+s26+$0x0], $0xffff  }
0x1b9: {  	[tilespmem:s22+$0xFFFFFF00] =	vst v9;
	v9 =	vadd.s32 s18, v2;
	_ =	sdelay $0x1  }
0x1ba: {  	[tilespmem:s22+$0x80] =	vst v10;
	v13 =	vld.idx.msk [tilespmem:v13+s26+$0x0], $0xffff  }
0x1bb: {  	v15 =	vadd.s32 s2, v2;
	v10 =	vld.idx.msk [tilespmem:v14+s26+$0x0], $0xffff;
	[tilespmem:s22+$0x0] =	vst v11  }
0x1bc: {  	v11 =	vadd.s32 s30, v2;
	v8 =	vld.idx.msk [tilespmem:v8+s26+$0x0], $0xffff;
	[tilespmem:s22+$0xFFFFFF90] =	vst v12  }
0x1bd: {  	s11 =	simm.s32 $0x280;
	v12 =	vadd.s32 s3, v2;
	v9 =	vld.idx.msk [tilespmem:v9+s26+$0x0], $0xffff  }
0x1be: {  	v16 =	vadd.s32 s11, v0  }
0x1bf: {  	s20 =	simm.s32 $0x300;
	[tilespmem:s22+$0xFFFFFF10] =	vst v13;
	v13 =	vadd.s32 s18, v3  }
0x1c0: {  	s9 =	simm.s32 $0x200;
	v17 =	vadd.s32 s20, v0;
	[tilespmem:s22+$0x90] =	vst v10;
	v14 =	vld.idx.msk [tilespmem:v15+s26+$0x0], $0xffff  }
0x1c1: {  	v10 =	vld.idx.msk [tilespmem:v11+s26+$0x0], $0xffff;
	[tilespmem:s22+$0x10] =	vst v8;
	v8 =	vadd.s32 s9, v0  }
0x1c2: {  	v11 =	vld.idx.msk [tilespmem:v12+s26+$0x0], $0xffff;
	[tilespmem:s22+$0xFFFFFFA0] =	vst v9;
	v9 =	vadd.s32 s30, v3  }
0x1c3: {  	v16 =	vld.idx.msk [tilespmem:v16+s26+$0x0], $0xffff;
	v12 =	vadd.s32 s3, v3  }
0x1c4: {  	v15 =	vadd.s32 s2, v3;
	v13 =	vld.idx.msk [tilespmem:v13+s26+$0x0], $0xffff  }
0x1c5: {  	s12 =	simm.s32 $0x380;
	v17 =	vld.idx.msk [tilespmem:v17+s26+$0x0], $0xffff;
	[tilespmem:s22+$0xFFFFFF20] =	vst v14;
	v14 =	vadd.s32 s18, v4  }
0x1c6: {  	v18 =	vadd.s32 s12, v0;
	[tilespmem:s22+$0xA0] =	vst v10;
	v8 =	vld.idx.msk [tilespmem:v8+s26+$0x0], $0xffff  }
0x1c7: {  	[tilespmem:s22+$0x20] =	vst v11;
	v9 =	vld.idx.msk [tilespmem:v9+s26+$0x0], $0xffff  }
0x1c8: {  	v11 =	vld.idx.msk [tilespmem:v12+s26+$0x0], $0xffff;
	v12 =	vadd.s32 s30, v4  }
0x1c9: {  	s15 =	simm.s32 $0x14380;
	v15 =	vld.idx.msk [tilespmem:v15+s26+$0x0], $0xffff;
	v10 =	vadd.s32 s9, v1;
	[tilespmem:s22+$0xFFFFFFB0] =	vst v13  }
0x1ca: {  	[tilespmem:s15+$0xFFFFFF80] =	vst v16;
	v13 =	vld.idx.msk [tilespmem:v14+s26+$0x0], $0xffff;
	v14 =	vadd.s32 s2, v4  }
0x1cb: {  	v19 =	vadd.s32 s11, v1;
	v16 =	vld.idx.msk [tilespmem:v18+s26+$0x0], $0xffff;
	[tilespmem:s15+$0xFFFFFF00] =	vst v8  }
0x1cc: {  	v8 =	vadd.s32 s20, v1;
	[tilespmem:s22+$0xB0] =	vst v9  }
0x1cd: {  	v9 =	vld.idx.msk [tilespmem:v12+s26+$0x0], $0xffff;
	v12 =	vadd.s32 s18, v5  }
0x1ce: {  	[tilespmem:s22+$0xFFFFFF30] =	vst v15;
	v15 =	vadd.s32 s3, v4;
	v10 =	vld.idx.msk [tilespmem:v10+s26+$0x0], $0xffff  }
0x1cf: {  	v18 =	vadd.s32 s9, v2;
	[tilespmem:s15+$0x0] =	vst v17;
	v14 =	vld.idx.msk [tilespmem:v14+s26+$0x0], $0xffff  }
0x1d0: {  	v17 =	vld.idx.msk [tilespmem:v19+s26+$0x0], $0xffff;
	v19 =	vadd.s32 s2, v5;
	[tilespmem:s15+$0x80] =	vst v16  }
0x1d1: {  	v20 =	vadd.s32 s12, v1;
	[tilespmem:s22+$0xFFFFFFC0] =	vst v13;
	v21 =	vld.idx.msk [tilespmem:v8+s26+$0x0], $0xffff  }
0x1d2: {  	v22 =	vadd.s32 s11, v2;
	[tilespmem:s22+$0x30] =	vst v11;
	v23 =	vld.idx.msk [tilespmem:v12+s26+$0x0], $0xffff  }
0x1d3: {  	v24 =	vadd.s32 s20, v2;
	v25 =	vld.idx.msk [tilespmem:v15+s26+$0x0], $0xffff;
	[tilespmem:s15+$0xFFFFFF10] =	vst v10  }
0x1d4: {  	v13 =	vld.idx.msk [tilespmem:v18+s26+$0x0], $0xffff;
	v18 =	vadd.s32 s18, v6;
	[tilespmem:s22+$0xFFFFFF40] =	vst v14  }
0x1d5: {  	[tilespmem:s15+$0xFFFFFF90] =	vst v17;
	v11 =	vld.idx.msk [tilespmem:v19+s26+$0x0], $0xffff;
	v19 =	vadd.s32 s3, v5  }
0x1d6: {  	v16 =	vadd.s32 s9, v3;
	v17 =	vld.idx.msk [tilespmem:v20+s26+$0x0], $0xffff;
	[tilespmem:s15+$0x10] =	vst v21  }
0x1d7: {  	v12 =	vadd.s32 s30, v5;
	v14 =	vld.idx.msk [tilespmem:v22+s26+$0x0], $0xffff;
	[tilespmem:s22+$0xFFFFFFD0] =	vst v23  }
0x1d8: {  	v20 =	vadd.s32 s11, v3;
	v21 =	vadd.s32 s12, v2;
	v15 =	vld.idx.msk [tilespmem:v24+s26+$0x0], $0xffff;
	s19 =	rddreg [dreg:$0xf]  }
0x1d9: {  	s16 =	simm.s32 $0x8;
	s14 =	simm.s32 $0x14380;
	v8 =	vadd.s32 s20, v3;
	v10 =	vadd.s32 s18, v7;
	v18 =	vld.idx.msk [tilespmem:v18+s26+$0x0], $0xffff;
	[tilespmem:s22+$0x40] =	vst v25;
	s13 =	sadd.s32 s7, s19  }
.LBB2_9:
0x1da: {  	s19 =	sshll.u32 s16, $0x7;
	p2 =	slt.u32 s16, $0x4C;
	s16 =	sadd.s32 $0x4, s16;
	[tilespmem:s15+$0xFFFFFF20] =	vst v13;
	v13 =	vld.idx.msk [tilespmem:v19+s26+$0x0], $0xffff  }
0x1db: {  	v22 =	vadd.s32 s3, v6;
	v19 =	vadd.s32 s19, v0;
	s17 =	sadd.s32 $0x80, s19;
	s18 =	sadd.s32 $0x180, s19;
	v16 =	vld.idx.msk [tilespmem:v16+s26+$0x0], $0xffff;
	[tilespmem:s22+$0xC0] =	vst v9  }
0x1dc: {  	s6 =	sadd.s32 $0x100, s19;
	v9 =	vadd.s32 s17, v0;
	v23 =	vadd.s32 s18, v0;
	[tilespmem:s15+$0x90] =	vst v17;
	v12 =	vld.idx.msk [tilespmem:v12+s26+$0x0], $0xffff  }
0x1dd: {  	v17 =	vadd.s32 s6, v0;
	v24 =	vadd.s32 s6, v3;
	[tilespmem:s15+$0xFFFFFFA0] =	vst v14;
	v14 =	vld.idx.msk [tilespmem:v21+s26+$0x0], $0xffff;
	v21 =	vadd.s32 s2, v6  }
0x1de: {  	v20 =	vld.idx.msk [tilespmem:v20+s26+$0x0], $0xffff;
	[tilespmem:s15+$0x20] =	vst v15  }
0x1df: {  	v25 =	vadd.s32 s12, v3;
	v15 =	vld.idx.msk [tilespmem:v8+s26+$0x0], $0xffff;
	[tilespmem:s22+$0xFFFFFFE0] =	vst v18;
	v8 =	vmov v24  }
0x1e0: {  	v18 =	vadd.s32 s11, v4;
	v10 =	vld.idx.msk [tilespmem:v10+s26+$0x0], $0xffff;
	[tilespmem:s22+$0x50] =	vst v13  }
0x1e1: {  	[tilespmem:s22+$0xFFFFFF50] =	vst v11;
	v11 =	vld.idx.msk [tilespmem:v22+s26+$0x0], $0xffff  }
0x1e2: {  	v13 =	vld.idx.msk [tilespmem:v19+s26+$0x0], $0xffff;
	v19 =	vadd.s32 s19, v1;
	[tilespmem:s15+$0xFFFFFF30] =	vst v16;
	v16 =	vadd.s32 s30, v6  }
0x1e3: {  	v22 =	vadd.s32 s17, v1;
	[tilespmem:s15+$0xA0] =	vst v14;
	v14 =	vld.idx.msk [tilespmem:v21+s26+$0x0], $0xffff  }
0x1e4: {  	v21 =	vadd.s32 s6, v1;
	[tilespmem:s15+$0xFFFFFFB0] =	vst v20;
	v20 =	vld.idx.msk [tilespmem:v25+s26+$0x0], $0xffff  }
0x1e5: {  	v24 =	vadd.s32 s18, v1;
	s15 =	sadd.s32 $0x200, s15;
	v25 =	vadd.s32 s3, v7;
	s3 =	smov.u32 s20;
	s20 =	smov.u32 s6;
	v18 =	vld.idx.msk [tilespmem:v18+s26+$0x0], $0xffff;
	[tilespmem:s22+$0xD0] =	vst v12  }
0x1e6: {  	v12 =	vld.idx.msk [tilespmem:v9+s26+$0x0], $0xffff;
	v9 =	vadd.s32 s12, v4;
	[tilespmem:s22+$0xFFFFFFF0] =	vst v10  }
0x1e7: {  	v10 =	vld.idx.msk [tilespmem:v17+s26+$0x0], $0xffff;
	v17 =	vadd.s32 s2, v7;
	[tilespmem:s22+$0x60] =	vst v11;
	s2 =	smov.u32 s9;
	s9 =	smov.u32 s19  }
0x1e8: {  	[tilespmem:s15+$0xFFFFFF00] =	vst v13;
	v11 =	vadd.s32 s2, v4;
	v13 =	vld.idx.msk [tilespmem:v16+s26+$0x0], $0xffff  }
0x1e9: {  	v16 =	vld.idx.msk [tilespmem:v19+s26+$0x0], $0xffff;
	[tilespmem:s22+$0xFFFFFF60] =	vst v14;
	v14 =	vadd.s32 s30, v7;
	s30 =	smov.u32 s12;
	s12 =	smov.u32 s18  }
0x1ea: {  	[tilespmem:s14+$0xB0] =	vst v20;
	v19 =	vld.idx.msk [tilespmem:v25+s26+$0x0], $0xffff  }
0x1eb: {  	[tilespmem:s14+$0xFFFFFFC0] =	vst v18;
	v9 =	vld.idx.msk [tilespmem:v9+s26+$0x0], $0xffff  }
0x1ec: {  	[tilespmem:s15+$0xFFFFFF80] =	vst v12;
	v12 =	vld.idx.msk [tilespmem:v17+s26+$0x0], $0xffff  }
0x1ed: {  	v17 =	vadd.s32 s11, v5;
	[tilespmem:s15+$0x0] =	vst v10;
	v11 =	vld.idx.msk [tilespmem:v11+s26+$0x0], $0xffff  }
0x1ee: {  	v20 =	vadd.s32 s3, v4;
	v18 =	vld.idx.msk [tilespmem:v23+s26+$0x0], $0xffff;
	[tilespmem:s22+$0xE0] =	vst v13  }
0x1ef: {  	v10 =	vadd.s32 s11, v7;
	v13 =	vadd.s32 s9, v2;
	[tilespmem:s14+$0x30] =	vst v15;
	v14 =	vld.idx.msk [tilespmem:v14+s26+$0x0], $0xffff  }
0x1f0: {  	v15 =	vld.idx.msk [tilespmem:v22+s26+$0x0], $0xffff;
	v22 =	vadd.s32 s2, v5;
	[tilespmem:s22+$0x70] =	vst v19  }
0x1f1: {  	[tilespmem:s15+$0xFFFFFF10] =	vst v16;
	v21 =	vld.idx.msk [tilespmem:v21+s26+$0x0], $0xffff  }
0x1f2: {  	v23 =	vadd.s32 s17, v2;
	v25 =	vld.idx.msk [tilespmem:v17+s26+$0x0], $0xffff;
	[tilespmem:s22+$0xFFFFFF70] =	vst v12  }
0x1f3: {  	v26 =	vadd.s32 s20, v2;
	[tilespmem:s14+$0xFFFFFF40] =	vst v11;
	v27 =	vld.idx.msk [tilespmem:v20+s26+$0x0], $0xffff  }
0x1f4: {  	v13 =	vld.idx.msk [tilespmem:v13+s26+$0x0], $0xffff;
	[tilespmem:s15+$0x80] =	vst v18;
	v18 =	vadd.s32 s11, v6;
	s11 =	smov.u32 s17  }
.Ltmp5:
0x1f5: {  	v19 =	vadd.s32 s3, v5;
	v11 =	vld.idx.msk [tilespmem:v22+s26+$0x0], $0xffff;
	[tilespmem:s22+$0xF0] =	vst v14;
	s22 =	smov.u32 s14;
	s14 =	smov.u32 s15;
	(pc) =	sbr.rel @p2 .LBB2_9-.Ltmp5, $4  }
0x1f6: {  	v16 =	vadd.s32 s9, v3;
	[tilespmem:s15+$0xFFFFFF90] =	vst v15;
	v17 =	vld.idx.msk [tilespmem:v24+s26+$0x0], $0xffff  }
0x1f7: {  	v12 =	vadd.s32 s30, v5;
	v14 =	vld.idx.msk [tilespmem:v23+s26+$0x0], $0xffff;
	[tilespmem:s15+$0x10] =	vst v21  }
0x1f8: {  	v21 =	vadd.s32 s12, v2;
	v15 =	vld.idx.msk [tilespmem:v26+s26+$0x0], $0xffff;
	[tilespmem:s22+$0xFFFFFFD0] =	vst v25  }
0x1f9: {  	v20 =	vadd.s32 s11, v3;
	v18 =	vld.idx.msk [tilespmem:v18+s26+$0x0], $0xffff;
	[tilespmem:s22+$0x40] =	vst v27  }
0x1fa: {  	_ =	sdelay $0x2  }
0x1fb: {  	[tilespmem:s15+$0x90] =	vst v17  }
0x1fc: {  	[tilespmem:s15+$0xFFFFFF20] =	vst v13;
	v13 =	vld.idx.msk [tilespmem:v21+s26+$0x0], $0xffff  }
0x1fd: {  	[tilespmem:s22+$0xC0] =	vst v9;
	v9 =	vadd.s32 s12, v3;
	v17 =	vld.idx.msk [tilespmem:v19+s26+$0x0], $0xffff  }
0x1fe: {  	[tilespmem:s15+$0xFFFFFFA0] =	vst v14  }
0x1ff: {  	v14 =	vld.idx.msk [tilespmem:v20+s26+$0x0], $0xffff;
	[tilespmem:s15+$0x20] =	vst v15  }
0x200: {  	[tilespmem:s22+$0xFFFFFF50] =	vst v11;
	v15 =	vadd.s32 s11, v4;
	v8 =	vld.idx.msk [tilespmem:v8+s26+$0x0], $0xffff  }
0x201: {  	v16 =	vld.idx.msk [tilespmem:v16+s26+$0x0], $0xffff;
	[tilespmem:s15+$0xA0] =	vst v13;
	v13 =	vadd.s32 s20, v4  }
0x202: {  	[tilespmem:s22+$0x50] =	vst v17;
	v17 =	vadd.s32 s9, v4;
	v9 =	vld.idx.msk [tilespmem:v9+s26+$0x0], $0xffff  }
0x203: {  	v11 =	vadd.s32 s12, v4;
	v12 =	vld.idx.msk [tilespmem:v12+s26+$0x0], $0xffff;
	[tilespmem:s22+$0xFFFFFFE0] =	vst v18  }
0x204: {  	v18 =	vadd.s32 s3, v6;
	v10 =	vld.idx.msk [tilespmem:v10+s26+$0x0], $0xffff;
	[tilespmem:s15+$0xFFFFFFB0] =	vst v14  }
0x205: {  	v14 =	vadd.s32 s2, v6;
	v15 =	vld.idx.msk [tilespmem:v15+s26+$0x0], $0xffff;
	[tilespmem:s14+$0x30] =	vst v8  }
0x206: {  	[tilespmem:s15+$0xFFFFFF30] =	vst v16;
	v8 =	vadd.s32 s11, v5;
	v13 =	vld.idx.msk [tilespmem:v13+s26+$0x0], $0xffff  }
0x207: {  	v16 =	vadd.s32 s20, v5;
	[tilespmem:s14+$0xB0] =	vst v9;
	v9 =	vld.idx.msk [tilespmem:v17+s26+$0x0], $0xffff  }
0x208: {  	[tilespmem:s22+$0xD0] =	vst v12;
	v12 =	vadd.s32 s9, v5;
	v11 =	vld.idx.msk [tilespmem:v11+s26+$0x0], $0xffff  }
0x209: {  	[tilespmem:s22+$0xFFFFFFF0] =	vst v10;
	v10 =	vadd.s32 s12, v5;
	v17 =	vld.idx.msk [tilespmem:v18+s26+$0x0], $0xffff  }
0x20a: {  	v18 =	vadd.s32 s30, v6;
	v14 =	vld.idx.msk [tilespmem:v14+s26+$0x0], $0xffff;
	[tilespmem:s14+$0xFFFFFFC0] =	vst v15  }
0x20b: {  	v15 =	vadd.s32 s3, v7;
	v8 =	vld.idx.msk [tilespmem:v8+s26+$0x0], $0xffff;
	[tilespmem:s14+$0x40] =	vst v13  }
0x20c: {  	[tilespmem:s14+$0xFFFFFF40] =	vst v9;
	v9 =	vadd.s32 s11, v6;
	v13 =	vld.idx.msk [tilespmem:v16+s26+$0x0], $0xffff  }
0x20d: {  	v16 =	vadd.s32 s20, v6;
	v12 =	vld.idx.msk [tilespmem:v12+s26+$0x0], $0xffff;
	[tilespmem:s14+$0xC0] =	vst v11  }
0x20e: {  	[tilespmem:s22+$0x60] =	vst v17;
	v11 =	vadd.s32 s9, v6;
	v10 =	vld.idx.msk [tilespmem:v10+s26+$0x0], $0xffff  }
0x20f: {  	v17 =	vld.idx.msk [tilespmem:v18+s26+$0x0], $0xffff;
	[tilespmem:s22+$0xFFFFFF60] =	vst v14;
	v14 =	vadd.s32 s12, v6  }
0x210: {  	v18 =	vadd.s32 s2, v7;
	v15 =	vld.idx.msk [tilespmem:v15+s26+$0x0], $0xffff;
	[tilespmem:s14+$0xFFFFFFD0] =	vst v8  }
0x211: {  	v8 =	vadd.s32 s30, v7;
	v9 =	vld.idx.msk [tilespmem:v9+s26+$0x0], $0xffff;
	[tilespmem:s14+$0x50] =	vst v13  }
0x212: {  	v13 =	vadd.s32 s11, v7;
	[tilespmem:s14+$0xFFFFFF50] =	vst v12;
	v12 =	vld.idx.msk [tilespmem:v16+s26+$0x0], $0xffff  }
0x213: {  	v16 =	vadd.s32 s20, v7;
	v11 =	vld.idx.msk [tilespmem:v11+s26+$0x0], $0xffff;
	[tilespmem:s14+$0xD0] =	vst v10  }
0x214: {  	[tilespmem:s22+$0xE0] =	vst v17;
	v10 =	vadd.s32 s9, v7;
	v14 =	vld.idx.msk [tilespmem:v14+s26+$0x0], $0xffff  }
0x215: {  	v17 =	vld.idx.msk [tilespmem:v18+s26+$0x0], $0xffff;
	[tilespmem:s22+$0x70] =	vst v15;
	v15 =	vadd.s32 s12, v7  }
0x216: {  	v8 =	vld.idx.msk [tilespmem:v8+s26+$0x0], $0xffff;
	[tilespmem:s14+$0xFFFFFFE0] =	vst v9  }
0x217: {  	v9 =	vld.idx.msk [tilespmem:v13+s26+$0x0], $0xffff;
	[tilespmem:s14+$0x60] =	vst v12  }
0x218: {  	[tilespmem:s14+$0xFFFFFF60] =	vst v11;
	v11 =	vld.idx.msk [tilespmem:v16+s26+$0x0], $0xffff  }
0x219: {  	v10 =	vld.idx.msk [tilespmem:v10+s26+$0x0], $0xffff;
	[tilespmem:s14+$0xE0] =	vst v14  }
0x21a: {  	[tilespmem:s22+$0xFFFFFF70] =	vst v17;
	v12 =	vld.idx.msk [tilespmem:v15+s26+$0x0], $0xffff  }
0x21b: {  	[tilespmem:s22+$0xF0] =	vst v8  }
0x21c: {  	[tilespmem:s14+$0xFFFFFFF0] =	vst v9  }
0x21d: {  	[tilespmem:s14+$0x70] =	vst v11  }
0x21e: {  	s16 =	sshll.u32 s13, $0x4;
	[tilespmem:s14+$0xFFFFFF70] =	vst v10  }
0x21f: {  	s17 =	simm.s32 $0x14080;
	s2 =	sadd.s32 s5, s16;
	[tilespmem:s14+$0xF0] =	vst v12  }
0x220: {  	[hbm4b:s2+s4] =	stream.linear.scatter [tilespmem:s17], [sflag:$0x9], $0x2800, $0x38;
	[tilespmem:$0x19080] =	vst v63  }
0x221: {  	s2 =	rddreg [dreg:$0x10]  }
0x222: {  	s2 =	sadd.s32 @!p1 s7, s2  }
0x223: {  	s2 =	sshll.u32 @!p1 s2, $0x4  }
0x224: {  	s6 =	simm.s32 @!p1 $0x7880;
	s3 =	simm.s32 @!p1 $0x0;
	s2 =	sadd.s32 @!p1 s1, s2  }
0x225: {  	[tilespmem:s6], [sflag:$0x4] =	stream.linear.gather @!p1 [hbm4b:s2+s3], $0x2800, $0x38;
	[tilespmem:$0x19080] =	vst v63  }
0x226: {  	s18 =	simm.s32 $0x80;
	_ =	swait.ge [sflag:s10], $0x2800  }
0x227: {  	v8 =	vadd.s32 s18, v0;
	[sflag:s10] =	ssyncset.done $0x0  }
0x228: {  	s3 =	simm.s32 @!p0 $0xA;
	s2 =	simm.s32 $0x0;
	[sflag:s10] =	ssyncadd.s32 $0xFFFFD800  }
0x229: {  	v9 =	vadd.s32 s2, v0;
	_ =	swait.ge @!p0 [sflag:s3], $0x2800  }
0x22a: {  	s30 =	simm.s32 $0x180;
	[sflag:s3] =	ssyncset.done @!p0 $0x0  }
0x22b: {  	v10 =	vadd.s32 s30, v0;
	[sflag:s3] =	ssyncadd.s32 @!p0 $0xFFFFD800;
	s3 =	simm.s32 $0x100  }
0x22c: {  	v11 =	vadd.s32 s3, v0;
	v8 =	vld.idx.msk [tilespmem:v8+s28+$0x0], $0xffff  }
0x22d: {  	v12 =	vadd.s32 s18, v1  }
0x22e: {  	v9 =	vld.idx.msk [tilespmem:v9+s28+$0x0], $0xffff;
	_ =	sdelay $0x1  }
0x22f: {  	s22 =	simm.s32 $0x16980;
	v13 =	vadd.s32 s2, v1;
	v10 =	vld.idx.msk [tilespmem:v10+s28+$0x0], $0xffff  }
0x230: {  	v14 =	vadd.s32 s30, v1;
	v11 =	vld.idx.msk [tilespmem:v11+s28+$0x0], $0xffff;
	[tilespmem:s22+$0xFFFFFF80] =	vst v8  }
0x231: {  	v8 =	vadd.s32 s3, v1;
	v12 =	vld.idx.msk [tilespmem:v12+s28+$0x0], $0xffff  }
0x232: {  	[tilespmem:s22+$0xFFFFFF00] =	vst v9;
	v9 =	vadd.s32 s18, v2;
	_ =	sdelay $0x1  }
0x233: {  	[tilespmem:s22+$0x80] =	vst v10;
	v13 =	vld.idx.msk [tilespmem:v13+s28+$0x0], $0xffff  }
0x234: {  	v15 =	vadd.s32 s2, v2;
	v10 =	vld.idx.msk [tilespmem:v14+s28+$0x0], $0xffff;
	[tilespmem:s22+$0x0] =	vst v11  }
0x235: {  	v11 =	vadd.s32 s30, v2;
	v8 =	vld.idx.msk [tilespmem:v8+s28+$0x0], $0xffff;
	[tilespmem:s22+$0xFFFFFF90] =	vst v12  }
0x236: {  	s11 =	simm.s32 $0x280;
	v12 =	vadd.s32 s3, v2;
	v9 =	vld.idx.msk [tilespmem:v9+s28+$0x0], $0xffff  }
0x237: {  	v16 =	vadd.s32 s11, v0  }
0x238: {  	s20 =	simm.s32 $0x300;
	[tilespmem:s22+$0xFFFFFF10] =	vst v13;
	v13 =	vadd.s32 s18, v3  }
0x239: {  	s9 =	simm.s32 $0x200;
	v17 =	vadd.s32 s20, v0;
	[tilespmem:s22+$0x90] =	vst v10;
	v14 =	vld.idx.msk [tilespmem:v15+s28+$0x0], $0xffff  }
0x23a: {  	v10 =	vld.idx.msk [tilespmem:v11+s28+$0x0], $0xffff;
	[tilespmem:s22+$0x10] =	vst v8;
	v8 =	vadd.s32 s9, v0  }
0x23b: {  	v11 =	vld.idx.msk [tilespmem:v12+s28+$0x0], $0xffff;
	[tilespmem:s22+$0xFFFFFFA0] =	vst v9;
	v9 =	vadd.s32 s30, v3  }
0x23c: {  	v16 =	vld.idx.msk [tilespmem:v16+s28+$0x0], $0xffff;
	v12 =	vadd.s32 s3, v3  }
0x23d: {  	v15 =	vadd.s32 s2, v3;
	v13 =	vld.idx.msk [tilespmem:v13+s28+$0x0], $0xffff  }
0x23e: {  	s12 =	simm.s32 $0x380;
	v17 =	vld.idx.msk [tilespmem:v17+s28+$0x0], $0xffff;
	[tilespmem:s22+$0xFFFFFF20] =	vst v14;
	v14 =	vadd.s32 s18, v4  }
0x23f: {  	v18 =	vadd.s32 s12, v0;
	[tilespmem:s22+$0xA0] =	vst v10;
	v8 =	vld.idx.msk [tilespmem:v8+s28+$0x0], $0xffff  }
0x240: {  	[tilespmem:s22+$0x20] =	vst v11;
	v9 =	vld.idx.msk [tilespmem:v9+s28+$0x0], $0xffff  }
0x241: {  	v11 =	vld.idx.msk [tilespmem:v12+s28+$0x0], $0xffff;
	v12 =	vadd.s32 s30, v4  }
0x242: {  	s15 =	simm.s32 $0x16B80;
	v15 =	vld.idx.msk [tilespmem:v15+s28+$0x0], $0xffff;
	v10 =	vadd.s32 s9, v1;
	[tilespmem:s22+$0xFFFFFFB0] =	vst v13  }
0x243: {  	[tilespmem:s15+$0xFFFFFF80] =	vst v16;
	v13 =	vld.idx.msk [tilespmem:v14+s28+$0x0], $0xffff;
	v14 =	vadd.s32 s2, v4  }
0x244: {  	v19 =	vadd.s32 s11, v1;
	v16 =	vld.idx.msk [tilespmem:v18+s28+$0x0], $0xffff;
	[tilespmem:s15+$0xFFFFFF00] =	vst v8  }
0x245: {  	v8 =	vadd.s32 s20, v1;
	[tilespmem:s22+$0xB0] =	vst v9  }
0x246: {  	v9 =	vld.idx.msk [tilespmem:v12+s28+$0x0], $0xffff;
	v12 =	vadd.s32 s18, v5  }
0x247: {  	[tilespmem:s22+$0xFFFFFF30] =	vst v15;
	v15 =	vadd.s32 s3, v4;
	v10 =	vld.idx.msk [tilespmem:v10+s28+$0x0], $0xffff  }
0x248: {  	v18 =	vadd.s32 s9, v2;
	[tilespmem:s15+$0x0] =	vst v17;
	v14 =	vld.idx.msk [tilespmem:v14+s28+$0x0], $0xffff  }
0x249: {  	v17 =	vld.idx.msk [tilespmem:v19+s28+$0x0], $0xffff;
	v19 =	vadd.s32 s2, v5;
	[tilespmem:s15+$0x80] =	vst v16  }
0x24a: {  	v20 =	vadd.s32 s12, v1;
	[tilespmem:s22+$0xFFFFFFC0] =	vst v13;
	v21 =	vld.idx.msk [tilespmem:v8+s28+$0x0], $0xffff  }
0x24b: {  	v22 =	vadd.s32 s11, v2;
	[tilespmem:s22+$0x30] =	vst v11;
	v23 =	vld.idx.msk [tilespmem:v12+s28+$0x0], $0xffff  }
0x24c: {  	v24 =	vadd.s32 s20, v2;
	v25 =	vld.idx.msk [tilespmem:v15+s28+$0x0], $0xffff;
	[tilespmem:s15+$0xFFFFFF10] =	vst v10  }
0x24d: {  	v13 =	vld.idx.msk [tilespmem:v18+s28+$0x0], $0xffff;
	v18 =	vadd.s32 s18, v6;
	[tilespmem:s22+$0xFFFFFF40] =	vst v14  }
0x24e: {  	[tilespmem:s15+$0xFFFFFF90] =	vst v17;
	v11 =	vld.idx.msk [tilespmem:v19+s28+$0x0], $0xffff;
	v19 =	vadd.s32 s3, v5  }
0x24f: {  	v16 =	vadd.s32 s9, v3;
	v17 =	vld.idx.msk [tilespmem:v20+s28+$0x0], $0xffff;
	[tilespmem:s15+$0x10] =	vst v21  }
0x250: {  	v12 =	vadd.s32 s30, v5;
	v14 =	vld.idx.msk [tilespmem:v22+s28+$0x0], $0xffff;
	[tilespmem:s22+$0xFFFFFFD0] =	vst v23  }
0x251: {  	v20 =	vadd.s32 s11, v3;
	v21 =	vadd.s32 s12, v2;
	v15 =	vld.idx.msk [tilespmem:v24+s28+$0x0], $0xffff;
	s19 =	rddreg [dreg:$0x11]  }
0x252: {  	s16 =	simm.s32 $0x8;
	s14 =	simm.s32 $0x16B80;
	v8 =	vadd.s32 s20, v3;
	v10 =	vadd.s32 s18, v7;
	v18 =	vld.idx.msk [tilespmem:v18+s28+$0x0], $0xffff;
	[tilespmem:s22+$0x40] =	vst v25;
	s13 =	sadd.s32 s7, s19  }
.LBB2_11:
0x253: {  	s19 =	sshll.u32 s16, $0x7;
	p0 =	slt.u32 s16, $0x4C;
	s16 =	sadd.s32 $0x4, s16;
	[tilespmem:s15+$0xFFFFFF20] =	vst v13;
	v13 =	vld.idx.msk [tilespmem:v19+s28+$0x0], $0xffff  }
0x254: {  	v22 =	vadd.s32 s3, v6;
	v19 =	vadd.s32 s19, v0;
	s17 =	sadd.s32 $0x80, s19;
	s18 =	sadd.s32 $0x180, s19;
	v16 =	vld.idx.msk [tilespmem:v16+s28+$0x0], $0xffff;
	[tilespmem:s22+$0xC0] =	vst v9  }
0x255: {  	s6 =	sadd.s32 $0x100, s19;
	v9 =	vadd.s32 s17, v0;
	v23 =	vadd.s32 s18, v0;
	[tilespmem:s15+$0x90] =	vst v17;
	v12 =	vld.idx.msk [tilespmem:v12+s28+$0x0], $0xffff  }
0x256: {  	v17 =	vadd.s32 s6, v0;
	v24 =	vadd.s32 s6, v3;
	[tilespmem:s15+$0xFFFFFFA0] =	vst v14;
	v14 =	vld.idx.msk [tilespmem:v21+s28+$0x0], $0xffff;
	v21 =	vadd.s32 s2, v6  }
0x257: {  	v20 =	vld.idx.msk [tilespmem:v20+s28+$0x0], $0xffff;
	[tilespmem:s15+$0x20] =	vst v15  }
0x258: {  	v25 =	vadd.s32 s12, v3;
	v15 =	vld.idx.msk [tilespmem:v8+s28+$0x0], $0xffff;
	[tilespmem:s22+$0xFFFFFFE0] =	vst v18;
	v8 =	vmov v24  }
0x259: {  	v18 =	vadd.s32 s11, v4;
	v10 =	vld.idx.msk [tilespmem:v10+s28+$0x0], $0xffff;
	[tilespmem:s22+$0x50] =	vst v13  }
0x25a: {  	[tilespmem:s22+$0xFFFFFF50] =	vst v11;
	v11 =	vld.idx.msk [tilespmem:v22+s28+$0x0], $0xffff  }
0x25b: {  	v13 =	vld.idx.msk [tilespmem:v19+s28+$0x0], $0xffff;
	v19 =	vadd.s32 s19, v1;
	[tilespmem:s15+$0xFFFFFF30] =	vst v16;
	v16 =	vadd.s32 s30, v6  }
0x25c: {  	v22 =	vadd.s32 s17, v1;
	[tilespmem:s15+$0xA0] =	vst v14;
	v14 =	vld.idx.msk [tilespmem:v21+s28+$0x0], $0xffff  }
0x25d: {  	v21 =	vadd.s32 s6, v1;
	[tilespmem:s15+$0xFFFFFFB0] =	vst v20;
	v20 =	vld.idx.msk [tilespmem:v25+s28+$0x0], $0xffff  }
0x25e: {  	v24 =	vadd.s32 s18, v1;
	s15 =	sadd.s32 $0x200, s15;
	v25 =	vadd.s32 s3, v7;
	s3 =	smov.u32 s20;
	s20 =	smov.u32 s6;
	v18 =	vld.idx.msk [tilespmem:v18+s28+$0x0], $0xffff;
	[tilespmem:s22+$0xD0] =	vst v12  }
0x25f: {  	v12 =	vld.idx.msk [tilespmem:v9+s28+$0x0], $0xffff;
	v9 =	vadd.s32 s12, v4;
	[tilespmem:s22+$0xFFFFFFF0] =	vst v10  }
0x260: {  	v10 =	vld.idx.msk [tilespmem:v17+s28+$0x0], $0xffff;
	v17 =	vadd.s32 s2, v7;
	[tilespmem:s22+$0x60] =	vst v11;
	s2 =	smov.u32 s9;
	s9 =	smov.u32 s19  }
0x261: {  	[tilespmem:s15+$0xFFFFFF00] =	vst v13;
	v11 =	vadd.s32 s2, v4;
	v13 =	vld.idx.msk [tilespmem:v16+s28+$0x0], $0xffff  }
0x262: {  	v16 =	vld.idx.msk [tilespmem:v19+s28+$0x0], $0xffff;
	[tilespmem:s22+$0xFFFFFF60] =	vst v14;
	v14 =	vadd.s32 s30, v7;
	s30 =	smov.u32 s12;
	s12 =	smov.u32 s18  }
0x263: {  	[tilespmem:s14+$0xB0] =	vst v20;
	v19 =	vld.idx.msk [tilespmem:v25+s28+$0x0], $0xffff  }
0x264: {  	[tilespmem:s14+$0xFFFFFFC0] =	vst v18;
	v9 =	vld.idx.msk [tilespmem:v9+s28+$0x0], $0xffff  }
0x265: {  	[tilespmem:s15+$0xFFFFFF80] =	vst v12;
	v12 =	vld.idx.msk [tilespmem:v17+s28+$0x0], $0xffff  }
0x266: {  	v17 =	vadd.s32 s11, v5;
	[tilespmem:s15+$0x0] =	vst v10;
	v11 =	vld.idx.msk [tilespmem:v11+s28+$0x0], $0xffff  }
0x267: {  	v20 =	vadd.s32 s3, v4;
	v18 =	vld.idx.msk [tilespmem:v23+s28+$0x0], $0xffff;
	[tilespmem:s22+$0xE0] =	vst v13  }
0x268: {  	v10 =	vadd.s32 s11, v7;
	v13 =	vadd.s32 s9, v2;
	[tilespmem:s14+$0x30] =	vst v15;
	v14 =	vld.idx.msk [tilespmem:v14+s28+$0x0], $0xffff  }
0x269: {  	v15 =	vld.idx.msk [tilespmem:v22+s28+$0x0], $0xffff;
	v22 =	vadd.s32 s2, v5;
	[tilespmem:s22+$0x70] =	vst v19  }
0x26a: {  	[tilespmem:s15+$0xFFFFFF10] =	vst v16;
	v21 =	vld.idx.msk [tilespmem:v21+s28+$0x0], $0xffff  }
0x26b: {  	v23 =	vadd.s32 s17, v2;
	v25 =	vld.idx.msk [tilespmem:v17+s28+$0x0], $0xffff;
	[tilespmem:s22+$0xFFFFFF70] =	vst v12  }
0x26c: {  	v26 =	vadd.s32 s20, v2;
	[tilespmem:s14+$0xFFFFFF40] =	vst v11;
	v27 =	vld.idx.msk [tilespmem:v20+s28+$0x0], $0xffff  }
0x26d: {  	v13 =	vld.idx.msk [tilespmem:v13+s28+$0x0], $0xffff;
	[tilespmem:s15+$0x80] =	vst v18;
	v18 =	vadd.s32 s11, v6;
	s11 =	smov.u32 s17  }
.Ltmp6:
0x26e: {  	v19 =	vadd.s32 s3, v5;
	v11 =	vld.idx.msk [tilespmem:v22+s28+$0x0], $0xffff;
	[tilespmem:s22+$0xF0] =	vst v14;
	s22 =	smov.u32 s14;
	s14 =	smov.u32 s15;
	(pc) =	sbr.rel @p0 .LBB2_11-.Ltmp6, $4  }
0x26f: {  	v16 =	vadd.s32 s9, v3;
	[tilespmem:s15+$0xFFFFFF90] =	vst v15;
	v17 =	vld.idx.msk [tilespmem:v24+s28+$0x0], $0xffff  }
0x270: {  	v12 =	vadd.s32 s30, v5;
	v14 =	vld.idx.msk [tilespmem:v23+s28+$0x0], $0xffff;
	[tilespmem:s15+$0x10] =	vst v21  }
0x271: {  	v21 =	vadd.s32 s12, v2;
	v15 =	vld.idx.msk [tilespmem:v26+s28+$0x0], $0xffff;
	[tilespmem:s22+$0xFFFFFFD0] =	vst v25  }
0x272: {  	v20 =	vadd.s32 s11, v3;
	v18 =	vld.idx.msk [tilespmem:v18+s28+$0x0], $0xffff;
	[tilespmem:s22+$0x40] =	vst v27  }
0x273: {  	_ =	sdelay $0x2  }
0x274: {  	[tilespmem:s15+$0x90] =	vst v17  }
0x275: {  	[tilespmem:s15+$0xFFFFFF20] =	vst v13;
	v34 =	vld.idx.msk [tilespmem:v21+s28+$0x0], $0xffff  }
0x276: {  	[tilespmem:s22+$0xC0] =	vst v9;
	v36 =	vadd.s32 s12, v3  }
0x277: {  	v35 =	vld.idx.msk [tilespmem:v19+s28+$0x0], $0xffff;
	[tilespmem:s22+$0xFFFFFF50] =	vst v11  }
0x278: {  	v16 =	vld.idx.msk [tilespmem:v16+s28+$0x0], $0xffff;
	[tilespmem:s15+$0xFFFFFFA0] =	vst v14  }
0x279: {  	v39 =	vadd.s32 s9, v4;
	v14 =	vld.idx.msk [tilespmem:v20+s28+$0x0], $0xffff;
	[tilespmem:s15+$0x20] =	vst v15  }
0x27a: {  	v37 =	vadd.s32 s11, v4;
	v8 =	vld.idx.msk [tilespmem:v8+s28+$0x0], $0xffff;
	[tilespmem:s15+$0xA0] =	vst v34  }
0x27b: {  	v38 =	vadd.s32 s20, v4;
	[tilespmem:s22+$0xFFFFFFE0] =	vst v18;
	v9 =	vld.idx.msk [tilespmem:v36+s28+$0x0], $0xffff  }
0x27c: {  	v40 =	vadd.s32 s12, v4;
	v12 =	vld.idx.msk [tilespmem:v12+s28+$0x0], $0xffff;
	[tilespmem:s22+$0x50] =	vst v35  }
0x27d: {  	v41 =	vadd.s32 s3, v6;
	v10 =	vld.idx.msk [tilespmem:v10+s28+$0x0], $0xffff;
	[tilespmem:s15+$0xFFFFFF30] =	vst v16  }
0x27e: {  	v48 =	vadd.s32 s30, v6;
	v43 =	vld.idx.msk [tilespmem:v39+s28+$0x0], $0xffff;
	[tilespmem:s15+$0xFFFFFFB0] =	vst v14  }
0x27f: {  	v45 =	vadd.s32 s9, v5;
	v15 =	vld.idx.msk [tilespmem:v37+s28+$0x0], $0xffff;
	[tilespmem:s14+$0x30] =	vst v8  }
0x280: {  	v8 =	vadd.s32 s11, v5;
	v13 =	vld.idx.msk [tilespmem:v38+s28+$0x0], $0xffff;
	[tilespmem:s14+$0xB0] =	vst v9  }
0x281: {  	v44 =	vadd.s32 s20, v5;
	[tilespmem:s22+$0xD0] =	vst v12;
	v11 =	vld.idx.msk [tilespmem:v40+s28+$0x0], $0xffff  }
0x282: {  	v47 =	vadd.s32 s12, v5;
	v46 =	vld.idx.msk [tilespmem:v41+s28+$0x0], $0xffff;
	[tilespmem:s22+$0xFFFFFFF0] =	vst v10  }
0x283: {  	v42 =	vadd.s32 s2, v6;
	v53 =	vld.idx.msk [tilespmem:v48+s28+$0x0], $0xffff;
	[tilespmem:s14+$0xFFFFFF40] =	vst v43  }
0x284: {  	v49 =	vadd.s32 s3, v7;
	v12 =	vld.idx.msk [tilespmem:v45+s28+$0x0], $0xffff;
	[tilespmem:s14+$0xFFFFFFC0] =	vst v15  }
0x285: {  	v52 =	vadd.s32 s9, v6;
	v8 =	vld.idx.msk [tilespmem:v8+s28+$0x0], $0xffff;
	[tilespmem:s14+$0x40] =	vst v13  }
0x286: {  	v50 =	vadd.s32 s11, v6;
	v13 =	vld.idx.msk [tilespmem:v44+s28+$0x0], $0xffff;
	[tilespmem:s14+$0xC0] =	vst v11  }
0x287: {  	v51 =	vadd.s32 s20, v6;
	[tilespmem:s22+$0x60] =	vst v46;
	v10 =	vld.idx.msk [tilespmem:v47+s28+$0x0], $0xffff  }
0x288: {  	v54 =	vadd.s32 s12, v6;
	v14 =	vld.idx.msk [tilespmem:v42+s28+$0x0], $0xffff;
	[tilespmem:s22+$0xE0] =	vst v53  }
0x289: {  	v55 =	vadd.s32 s2, v7;
	v15 =	vld.idx.msk [tilespmem:v49+s28+$0x0], $0xffff;
	[tilespmem:s14+$0xFFFFFF50] =	vst v12  }
0x28a: {  	v11 =	vld.idx.msk [tilespmem:v52+s28+$0x0], $0xffff;
	[tilespmem:s14+$0xFFFFFFD0] =	vst v8;
	v8 =	vadd.s32 s30, v7  }
0x28b: {  	v59 =	vadd.s32 s9, v7;
	v9 =	vld.idx.msk [tilespmem:v50+s28+$0x0], $0xffff;
	[tilespmem:s14+$0x50] =	vst v13  }
0x28c: {  	v56 =	vadd.s32 s11, v7;
	v57 =	vld.idx.msk [tilespmem:v51+s28+$0x0], $0xffff;
	[tilespmem:s14+$0xD0] =	vst v10  }
0x28d: {  	v58 =	vadd.s32 s20, v7;
	[tilespmem:s22+$0xFFFFFF60] =	vst v14;
	v14 =	vld.idx.msk [tilespmem:v54+s28+$0x0], $0xffff  }
0x28e: {  	v61 =	vadd.s32 s12, v7;
	v60 =	vld.idx.msk [tilespmem:v55+s28+$0x0], $0xffff;
	[tilespmem:s22+$0x70] =	vst v15  }
0x28f: {  	[tilespmem:s14+$0xFFFFFF60] =	vst v11;
	v8 =	vld.idx.msk [tilespmem:v8+s28+$0x0], $0xffff  }
0x290: {  	v10 =	vld.idx.msk [tilespmem:v59+s28+$0x0], $0xffff;
	[tilespmem:s14+$0xFFFFFFE0] =	vst v9  }
0x291: {  	v9 =	vld.idx.msk [tilespmem:v56+s28+$0x0], $0xffff;
	[tilespmem:s14+$0x60] =	vst v57  }
0x292: {  	v62 =	vld.idx.msk [tilespmem:v58+s28+$0x0], $0xffff;
	[tilespmem:s14+$0xE0] =	vst v14  }
0x293: {  	[tilespmem:s22+$0xFFFFFF70] =	vst v60;
	v63 =	vld.idx.msk [tilespmem:v61+s28+$0x0], $0xffff  }
0x294: {  	[tilespmem:s22+$0xF0] =	vst v8  }
.Ltmp7:
0x295: {  	[tilespmem:s14+$0xFFFFFF70] =	vst v10;
	(pc) =	sbr.rel @p1 .LBB2_14-.Ltmp7, $4  }
0x296: {  	[tilespmem:s14+$0xFFFFFFF0] =	vst v9  }
0x297: {  	s22 =	sshll.u32 s13, $0x4;
	[tilespmem:s14+$0x70] =	vst v62  }
0x298: {  	s30 =	simm.s32 $0x16880;
	s2 =	sadd.s32 s5, s22;
	[tilespmem:s14+$0xF0] =	vst v63  }
0x299: {  	[hbm4b:s2+s4] =	stream.linear.scatter [tilespmem:s30], [sflag:$0xA], $0x2800, $0x38;
	[tilespmem:$0x19080] =	vst v63  }
.Ltmp8:
0x29a: {  	s2 =	rddreg [dreg:$0x12];
	(pc) =	sbr.rel .LBB2_2-.Ltmp8, $4  }
0x29b: {  	s2 =	sadd.s32 s7, s2  }
0x29c: {  	s2 =	sshll.u32 s2, $0x4  }
0x29d: {  	s21 =	sadd.s32 $0x1, s21;
	s2 =	sadd.s32 s1, s2  }
0x29e: {  	[tilespmem:s28], [sflag:$0x5] =	stream.linear.gather [hbm4b:s2+s4], $0x2800, $0x38;
	[tilespmem:$0x19080] =	vst v63  }
.LBB2_15:
0x29f: {  	_ =	sfence.sel $0x180000  }
0x2a0: {  	[bflag:$0x0] =	sbarrier.arrive $0xFFFF  }
0x2a1: {  	_ =	strace $0x90000047  }
0x2a2: {  	s0 =	stileid.u32;
	[bflag:$0x2] =	sbarrier.arrive $0xFFFF  }
0x2a3: {  	p0 =	sne.s32 s0, $0x0;
	s0 =	rddreg [dreg:$0x3]  }
0x2a4: {  	s0 =	sadd.s32 @!p0 $0x100000, s0  }
0x2a5: {  	[sflag:s0] =	ssyncadd.tile.s32 @!p0 $0x1;
	_ =	shalt  }
.Lfunc_end2:
_tile_overlayer_lowered:
.L_overlay_start_2:
0x2a6: {  	(tag) =	ssettag $0x2  }
0x2a7: {  	s0 =	rddreg [dreg:$0x0];
	s2 =	stileid.u32  }
0x2a8: {  	s1 =	rddreg [dreg:$0x1];
	p0 =	sne.s32 s2, $0x0  }
0x2a9: {  	s3 =	rddreg [dreg:$0x2];
	[bflag:$0x3] =	sbarrier.arrive $0xFFFF;
	s2 =	simm.s32 @!p0 $0x1C0B  }
0x2aa: {  	[timem:s3], [sflag:s2] =	dma.local @!p0 [hbm:s0], s1  }
0x2ab: {  	s0 =	simm.s32 @!p0 $0xB  }
0x2ac: {  	_ =	swait.ge @!p0 [sflag:s0], s1  }
0x2ad: {  	s1 =	ssub.s32 @!p0 $0x0, s1;
	[sflag:s0] =	ssyncset.done @!p0 $0x0  }
0x2ae: {  	[sflag:s0] =	ssyncadd.s32 @!p0 s1  }
0x2af: {  	[bflag:$0x3] =	sbarrier.arrive $0xFFFF  }
0x2b0: {  	_ =	shalt  }

// kernel: sparse-core-data-format-call.cloned.1.call-start
scs
called_computation_lowered:
.L_overlay_start_0:
0x0: {  	s2 =	sld [smem:$0x3FD9]  }
0x1: {  	s3 =	sld [smem:$0x3FFE];
	_ =	sdelay $0x1  }
0x2: {  	s1 =	srdreg.scid  }
0x3: {  	s0 =	sand.u32 $0x1, s1  }
0x4: {  	s18 =	sshll.u32 s0, $0xA;
	s2 =	sadd.s32 s3, s2  }
0x5: {  	s2 =	sadd.s32 s2, s18  }
0x6: {  	[smem:$0x3FC6] =	sst s2  }
0x7: {  	_ = 	snop  }
0x8: {  	s2 =	sld [smem:$0x3FD0];
	(tm) =	ssettm $0x1  }
0x9: {  	s19 =	sld [smem:$0x3FFB];
	_ =	sdelay $0x3  }
0xa: {  	_ =	strace s19  }
0xb: {  	s3 =	sld [smem:$0x3FFC];
	_ =	sdelay $0x3  }
0xc: {  	_ =	strace s3  }
0xd: {  	s3 =	sld [smem:$0x3FFD];
	_ =	sdelay $0x3  }
0xe: {  	_ =	strace s3  }
0xf: {  	_ =	strace $0x8FFFFFFF  }
0x10: {  	s20 =	sld [smem:$0x3FDB];
	_ =	sdelay $0x1  }
0x11: {  	s4 =	simm.s32 $_scs_section_size  }
0x12: {  	s5 =	simm.s32 $_size__tile_overlayer_lowered;
	s6 =	simm.s32 $_tile_overlayer_lowered  }
0x13: {  	s23 =	simm.s32 $0x1BFF;
	s22 =	sshll.u32 s6, $0x1;
	s3 =	sadd.s32 s4, s20  }
0x14: {  	s7 =	simm.s32 $0x0;
	s21 =	sshll.u32 s5, $0x1;
	s5 =	sadd.s32 s22, s3  }
0x15: {  	[timem:s7], [sflag:s23] =	dma.local [hbm:s5], s21  }
0x16: {  	_ =	swait.ge [sflag:s23], s21  }
0x17: {  	s4 =	ssub.s32 $0x0, s21;
	[sflag:s23] =	ssyncset.done $0x0  }
0x18: {  	[sflag:s23] =	ssyncadd.s32 s4;
	_ =	sdelay $0x1  }
0x19: {  	s24 =	simm.s32 $0x1B8B  }
0x1a: {  	_ =	swait.ge [sflag:s24], $0x1  }
0x1b: {  	[sflag:s24] =	ssyncset.done $0x0  }
0x1c: {  	s26 =	simm.s32 $0x1B8E;
	s25 =	sld [smem:$0x3FFE];
	[sflag:s24] =	ssyncadd.s32 $0xFFFFFFFF  }
0x1d: {  	s27 =	simm.s32 $execute0_lowered;
	[smem:$0x3FD2] =	sst s26  }
0x1e: {  	s5 =	sshll.u32 s27, $0x1;
	_ =	strace $0x80000049;
	[dreg:$0x1] =	wrdreg $0xFFFFFFFF  }
0x1f: {  	s28 =	simm.s32 $_size_execute0_lowered;
	s3 =	sadd.s32 s3, s5;
	[dreg:$0x0] =	wrdreg $0x0  }
0x20: {  	s5 =	sshll.u32 s28, $0x1;
	[dreg:$0x2] =	wrdreg s3  }
0x21: {  	[dreg:$0x3] =	wrdreg s5  }
0x22: {  	[dreg:$0x4] =	wrdreg $0xC0  }
0x23: {  	_ =	task [dreg:s7], $0x5FFFF  }
0x24: {  	[dreg:$0x1] =	wrdreg $0xFFFFFFFF  }
0x25: {  	[dreg:$0x0] =	wrdreg $0x60  }
0x26: {  	[dreg:$0x2] =	wrdreg s25  }
0x27: {  	[dreg:$0x3] =	wrdreg s2  }
0x28: {  	[dreg:$0x4] =	wrdreg $0x9  }
0x29: {  	_ =	task.clear_ibuf [dreg:s7], $0x5FFFF;
	_ =	strace $0x90000049  }
0x2a: {  	s29 =	simm.s32 $0x9;
	_ =	strace $0x8000004B  }
0x2b: {  	_ =	swait.ge [sflag:s29], $0x1  }
0x2c: {  	[sflag:s29] =	ssyncadd.s32 $0xFFFFFFFF  }
0x2d: {  	_ =	strace $0x9000004B  }
0x2e: {  	_ =	sfence  }
0x2f: {  	s30 =	sld [smem:$0x0];
	_ =	sdelay $0x2  }
0x30: {  	s31 =	sshll.u32 s1, $0xD;
	s1 =	sshrl.u32 s1, $0x2  }
0x31: {  	s3 =	sand.u32 $0x4000, s31;
	s1 =	sadd.s32 s1, s30  }
0x32: {  	s0 =	sor.u32 s3, s0;
	s1 =	sshll.u32 s1, $0x11  }
0x33: {  	s0 =	sor.u32 s1, s0  }
0x34: {  	s0 =	sadd.s32 $0x8F2B, s0  }
0x35: {  	[sflag:s0] =	ssyncadd.remote.s32 $0x1  }
0x36: {  	_ =	sfence.sel $0xFFFF  }
0x37: {  	[dreg:$0x0] =	wrdreg $0xFFFFFFFF;
	(pc) =	sbr.abs _section_cstart, $3  }
0x38: {  	[dreg:$0x1] =	wrdreg $0xFFFFFFFF  }
0x39: {  	_ =	task.clear_ibuf [dreg:s7], $0x2FFFF;
	_ =	strace $0x9FFFFFFF  }
0x3a: {  	(tm) =	ssettm $0x7FFFFFFF  }
0x3b: {  	_ =	shalt  }
tec
execute0_lowered:
.L_overlay_start_1:
0x0: {  	(tag) =	ssettag $0x1  }
0x1: {  	s0 =	srdreg.scid  }
0x2: {  	s1 =	sshll.u32 s0, $0x4  }
0x3: {  	s0 =	stileid.u32;
	s1 =	sand.u32 $0x10, s1  }
0x4: {  	s6 =	rddreg [dreg:$0x0];
	s1 =	sor.u32 s0, s1  }
0x5: {  	s4 =	simm.s32 $0x1;
	s7 =	simm.s32 $0x2;
	s2 =	sshll.u32 s1, $0x5  }
0x6: {  	s14 =	simm.s32 $0x0;
	s8 =	simm.s32 $0x1000;
	s1 =	ssub.s32 $0x1000, s2  }
0x7: {  	s9 =	simm.s32 $0x80000;
	s10 =	simm.s32 $0x0;
	s3 =	sand.u32 $0x3E0, s1  }
0x8: {  	s15 =	simm.s32 $0x0;
	s5 =	sshrl.u32 s1, $0xA;
	p0 =	sne.s32 s3, $0x0  }
.Ltmp0:
0x9: {  	s1 =	rddreg [dreg:$0x2];
	s4 =	simm.s32 @!p0 $0x0;
	(pc) =	sbr.rel .LBB1_1-.Ltmp0, $4  }
0xa: {  	s11 =	simm.s32 $0x0;
	s3 =	rddreg [dreg:$0x1];
	s5 =	sadd.s32 s4, s5  }
0xb: {  	_ =	strace $0x8000004A;
	s4 =	simm.s32 $0x1;
	s5 =	smul.u32 $0x19, s5  }
0xc: {  	s13 =	simm.s32 $0x0;
	s6 =	sadd.s32 $0x640800, s6;
	[sflag:s4] =	ssyncpa.u1 $0x0  }
0xd: {  	s12 =	smov.u32 s2;
	[sflag:s7] =	ssyncpa.u1 $0x0;
	s7 =	sadd.s32 $0x1, s5  }
.LBB1_7:
0xe: {  	s16 =	sadd.s32 $0x4, s11  }
0xf: {  	s14 =	sadd.s32 $0x400, s12;
	s18 =	smov.u32 s12;
	p1 =	sgt.s32 s16, $0x63  }
0x10: {  	s18 =	smov.u32 @p1 s14  }
0x11: {  	s16 =	simm.s32 @p1 $0x0;
	p1 =	sgt.s32 s18, $0xFFF  }
0x12: {  	s18 =	smov.u32 @p1 s2;
	p1 =	sne.s32 s13, s7  }
.Ltmp1:
0x13: {  	p0 =	slt.u32 s13, $0x2;
	(pc) =	sbr.rel @!p1 .LBB1_8-.Ltmp1, $4  }
0x14: {  	s17 =	simm.s32 @!p0 $0x2  }
0x15: {  	s15 =	smov.u32 s12;
	s10 =	sadd.s32 $0x4000, s10;
	_ =	swait.ge @!p0 [sflag:s17], $0x4000  }
0x16: {  	s14 =	smov.u32 s11;
	[sflag:s17] =	ssyncset.done @!p0 $0x0;
	s11 =	smov.u32 s16  }
0x17: {  	s13 =	sadd.s32 $0x1, s13;
	[sflag:s17] =	ssyncadd.s32 @!p0 $0xFFFFC000;
	s12 =	smov.u32 s18  }
.LBB1_1:
0x18: {  	p0 =	sge.u32 s13, s5  }
0x19: {  	s16 =	sand.u32 @!p0 $0x1FFFFFF, s11  }
0x1a: {  	s17 =	smulhi.u32 @!p0 $0x2762763, s16;
	_ =	sdelay $0x1  }
0x1b: {  	s17 =	smul.u32 @!p0 $0x68, s17  }
0x1c: {  	s18 =	sxor.u32 @!p0 $0xFFFFFFFF, s13;
	s19 =	smul.u32 @!p0 $0x680, s12  }
0x1d: {  	s31 =	sadd.s32 $0xFFFFFFFF, s13;
	s18 =	sshll.u32 @!p0 s18, $0xE;
	s16 =	ssub.s32 @!p0 s16, s17  }
0x1e: {  	s17 =	sand.u32 @!p0 $0x4000, s18;
	s18 =	sadd.s32 @!p0 s6, s19;
	s16 =	sshll.u32 @!p0 s16, $0x4  }
0x1f: {  	s19 =	simm.s32 @!p0 $0x3400;
	s16 =	sadd.s32 @!p0 s16, s18;
	s18 =	simm.s32 @!p0 $0x200  }
0x20: {  	[tilespmem:s17], [sflag:$0x1] =	stream.strided.gather @!p0 [hbm4b:s16+s18], $0x4000, s19, s18, $0x38;
	[tilespmem:$0x10000] =	vst v63  }
0x21: {  	p0 =	sge.u32 s31, s5  }
.Ltmp2:
0x22: {  	_ = 	snop;
	(pc) =	sbr.rel @p0 .LBB1_7-.Ltmp2, $1  }
0x23: {  	_ =	sdelay $0x3  }
0x24: {  	s17 =	sand.u32 $0x4000, s10  }
0x25: {  	_ =	swait.ge [sflag:s4], $0x4000;
	s19 =	sshll.u32 s13, $0xE;
	s16 =	sor.u32 $0x8040, s17  }
0x26: {  	s18 =	sor.u32 $0x40, s17;
	[sflag:s4] =	ssyncset.done $0x0;
	s31 =	sand.u32 $0x4000, s19  }
0x27: {  	s19 =	simm.s32 $0x0;
	[sflag:s4] =	ssyncadd.s32 $0xFFFFC000;
	s17 =	sor.u32 $0x8000, s31  }
.LBB1_3:
0x28: {  	v0 =	vmov s18;
	_ =	sdelay $0x3  }
0x29: {  	s21 =	simm.s32 $0x0  }
0x2a: {  	v6 =	vld.idx.msk [tilespmem:v0+s21+$0x30 ss:$0x1], $0xffff  }
0x2b: {  	v7 =	vld.idx.msk [tilespmem:v0+s21+$0xFFFFFFC0 ss:$0x1], $0xffff  }
0x2c: {  	v5 =	vld.idx.msk [tilespmem:v0+s21+$0xFFFFFFD0 ss:$0x1], $0xffff  }
0x2d: {  	v4 =	vld.idx.msk [tilespmem:v0+s21+$0xFFFFFFE0 ss:$0x1], $0xffff  }
0x2e: {  	v3 =	vld.idx.msk [tilespmem:v0+s21+$0xFFFFFFF0 ss:$0x1], $0xffff  }
0x2f: {  	v1 =	vld.idx.msk [tilespmem:v0+s21+$0x0 ss:$0x1], $0xffff  }
0x30: {  	v2 =	vld.idx.msk [tilespmem:v0+s21+$0x10 ss:$0x1], $0xffff;
	[tilespmem:s16+$0x30] =	vst v6  }
0x31: {  	s20 =	simm.s32 $0x80;
	s22 =	simm.s32 $0x400;
	[tilespmem:s16+$0xFFFFFFC0] =	vst v7;
	v6 =	vld.idx.msk [tilespmem:v0+s21+$0x20 ss:$0x1], $0xffff;
	s21 =	smov.u32 s16  }
.LBB1_4:
0x32: {  	p0 =	sne.s32 s22, $0x600;
	v7 =	vld.idx.msk [tilespmem:v0+s20+$0x30 ss:$0x1], $0xffff;
	[tilespmem:s21+$0xFFFFFFD0] =	vst v5  }
0x33: {  	v8 =	vld.idx.msk [tilespmem:v0+s20+$0xFFFFFFC0 ss:$0x1], $0xffff;
	[tilespmem:s21+$0xFFFFFFE0] =	vst v4  }
0x34: {  	v5 =	vld.idx.msk [tilespmem:v0+s20+$0xFFFFFFD0 ss:$0x1], $0xffff;
	[tilespmem:s21+$0xFFFFFFF0] =	vst v3  }
.Ltmp3:
0x35: {  	v4 =	vld.idx.msk [tilespmem:v0+s20+$0xFFFFFFE0 ss:$0x1], $0xffff;
	[tilespmem:s21+$0x0] =	vst v1;
	(pc) =	sbr.rel @p0 .LBB1_4-.Ltmp3, $4  }
0x36: {  	v3 =	vld.idx.msk [tilespmem:v0+s20+$0xFFFFFFF0 ss:$0x1], $0xffff;
	[tilespmem:s21+$0x10] =	vst v2  }
0x37: {  	v1 =	vld.idx.msk [tilespmem:v0+s20+$0x0 ss:$0x1], $0xffff;
	[tilespmem:s21+$0x20] =	vst v6;
	s21 =	sadd.s32 $0x1000, s21  }
0x38: {  	v2 =	vld.idx.msk [tilespmem:v0+s20+$0x10 ss:$0x1], $0xffff;
	[tilespmem:s21+$0x30] =	vst v7  }
0x39: {  	[tilespmem:s21+$0xFFFFFFC0] =	vst v8;
	v6 =	vld.idx.msk [tilespmem:v0+s20+$0x20 ss:$0x1], $0xffff;
	s20 =	sshra.s32 s22, $0x2;
	s22 =	sadd.s32 $0x200, s22  }
0x3a: {  	_ =	sdelay $0x2  }
0x3b: {  	[tilespmem:s21+$0xFFFFFFD0] =	vst v5  }
0x3c: {  	v56 =	vld.idx.msk [tilespmem:v0+s20+$0x30 ss:$0x1], $0xffff;
	[tilespmem:s21+$0xFFFFFFE0] =	vst v4  }
0x3d: {  	v57 =	vld.idx.msk [tilespmem:v0+s20+$0xFFFFFFC0 ss:$0x1], $0xffff;
	[tilespmem:s21+$0xFFFFFFF0] =	vst v3  }
0x3e: {  	v58 =	vld.idx.msk [tilespmem:v0+s20+$0xFFFFFFD0 ss:$0x1], $0xffff;
	[tilespmem:s21+$0x0] =	vst v1  }
0x3f: {  	v59 =	vld.idx.msk [tilespmem:v0+s20+$0xFFFFFFE0 ss:$0x1], $0xffff;
	[tilespmem:s21+$0x10] =	vst v2  }
0x40: {  	v60 =	vld.idx.msk [tilespmem:v0+s20+$0xFFFFFFF0 ss:$0x1], $0xffff;
	s31 =	sadd.s32 $0x1000, s21;
	[tilespmem:s21+$0x20] =	vst v6  }
0x41: {  	v61 =	vld.idx.msk [tilespmem:v0+s20+$0x0 ss:$0x1], $0xffff;
	[tilespmem:s31+$0x30] =	vst v56  }
0x42: {  	v62 =	vld.idx.msk [tilespmem:v0+s20+$0x10 ss:$0x1], $0xffff;
	s19 =	sadd.s32 $0x1, s19;
	[tilespmem:s31+$0xFFFFFFC0] =	vst v57  }
0x43: {  	v63 =	vld.idx.msk [tilespmem:v0+s20+$0x20 ss:$0x1], $0xffff;
	p0 =	sne.s32 s19, $0x20;
	[tilespmem:s31+$0xFFFFFFD0] =	vst v58  }
.Ltmp4:
0x44: {  	[tilespmem:s31+$0xFFFFFFE0] =	vst v59;
	(pc) =	sbr.rel @p0 .LBB1_3-.Ltmp4, $4  }
0x45: {  	[tilespmem:s31+$0xFFFFFFF0] =	vst v60  }
0x46: {  	[tilespmem:s31+$0x0] =	vst v61  }
0x47: {  	[tilespmem:s31+$0x10] =	vst v62  }
0x48: {  	s16 =	sadd.s32 $0x80, s16;
	s18 =	sadd.s32 $0x200, s18;
	[tilespmem:s31+$0x20] =	vst v63  }
.Ltmp5:
0x49: {  	s15 =	sshll.u32 s15, $0x4;
	(pc) =	sbr.rel .LBB1_7-.Ltmp5, $4  }
0x4a: {  	s15 =	sand.u32 $0xFFF0, s15  }
0x4b: {  	s14 =	sshll.u32 s14, $0x10;
	s15 =	sadd.s32 s3, s15  }
0x4c: {  	s14 =	sadd.s32 s14, s15  }
0x4d: {  	[hbm4b:s14+s8] =	stream.strided.scatter [tilespmem:s17], [sflag:$0x2], $0x4000, s9, s8, $0x38;
	[tilespmem:$0x10000] =	vst v63  }
.LBB1_8:
0x4e: {  	_ =	sfence.sel $0x180000  }
0x4f: {  	s2 =	simm.s32 $0x1;
	[bflag:$0x0] =	sbarrier.arrive $0xFFFF  }
0x50: {  	s31 =	simm.s32 $0x2;
	[sflag:s2] =	ssyncpa.u1 $0x1  }
0x51: {  	[sflag:s31] =	ssyncpa.u1 $0x1  }
0x52: {  	p0 =	sne.s32 s0, $0x0;
	_ =	strace $0x9000004A  }
0x53: {  	s0 =	sadd.s32 @!p0 $0x100000, s1;
	[bflag:$0x2] =	sbarrier.arrive $0xFFFF  }
0x54: {  	[sflag:s0] =	ssyncadd.tile.s32 @!p0 $0x1;
	_ =	shalt  }
.Lfunc_end1:
_tile_overlayer_lowered:
.L_overlay_start_2:
0x55: {  	(tag) =	ssettag $0x2  }
0x56: {  	s0 =	rddreg [dreg:$0x0];
	s2 =	stileid.u32  }
0x57: {  	s1 =	rddreg [dreg:$0x1];
	p0 =	sne.s32 s2, $0x0  }
0x58: {  	s3 =	rddreg [dreg:$0x2];
	[bflag:$0x3] =	sbarrier.arrive $0xFFFF;
	s2 =	simm.s32 @!p0 $0x1C01  }
0x59: {  	[timem:s3], [sflag:s2] =	dma.local @!p0 [hbm:s0], s1  }
0x5a: {  	s0 =	simm.s32 @!p0 $0x1  }
0x5b: {  	_ =	swait.ge @!p0 [sflag:s0], s1  }
0x5c: {  	s1 =	ssub.s32 @!p0 $0x0, s1;
	[sflag:s0] =	ssyncset.done @!p0 $0x0  }
0x5d: {  	[sflag:s0] =	ssyncadd.s32 @!p0 s1  }
0x5e: {  	[bflag:$0x3] =	sbarrier.arrive $0xFFFF  }
0x5f: {  	_ =	shalt  }

</sc_bundles>
